<compile_context>
chip_gen: v7x
topology: tpu7x:2x2x1
jax: 0.10.2.dev20260603
libtpu: 0.0.44.dev20260713+nightly
codegen_flags: <defaults>
</compile_context>

<pallas_src>
import functools

import jax
import jax.numpy as jnp
from jax import lax
from jax.experimental import pallas as pl
from jax.experimental.pallas import tpu as pltpu
from jax.experimental.pallas import tpu_sc as plsc

POOL_SIZE = 100
PROMPT_LENGTH = 10
D_MODEL = 1024
TOP_K = 5
SEQ = 2048
PREFIX = TOP_K * PROMPT_LENGTH
RCHUNK = 256
NCHUNK = SEQ // RCHUNK
NB = 4



def _mean_body(x_ref, q_ref, acc_ref):
    r = pl.program_id(1)
    psum = jnp.sum(x_ref[0], axis=0, keepdims=True)

    @pl.when(r == 0)
    def _init():
        acc_ref[0:1, :] = psum

    @pl.when(r != 0)
    def _acc():
        acc_ref[0:1, :] += psum

    @pl.when(r == NCHUNK - 1)
    def _out():
        q_ref[0, 0:1, :] = acc_ref[0:1, :] * (1.0 / SEQ)


def _mean(x):
    return pl.pallas_call(
        _mean_body,
        grid=(NB, NCHUNK),
        in_specs=[pl.BlockSpec((1, RCHUNK, D_MODEL), lambda b, r: (b, r, 0))],
        out_specs=pl.BlockSpec((1, 8, D_MODEL), lambda b, r: (b, 0, 0)),
        out_shape=jax.ShapeDtypeStruct((NB, 8, D_MODEL), jnp.float32),
        scratch_shapes=[pltpu.VMEM((8, D_MODEL), jnp.float32)],
        compiler_params=pltpu.CompilerParams(
            dimension_semantics=("arbitrary", "arbitrary"),
        ),
    )(x)



SC_WIN = 32
SC_GATH = SC_WIN + 8
SC_NWIN = RCHUNK // SC_WIN


def _sc_copy_body(x_hbm, out_hbm, vbuf, sems):
    c = lax.axis_index("c")
    s = lax.axis_index("s")
    wid = s * 2 + c
    b = wid // NCHUNK
    r = lax.rem(wid, NCHUNK)
    base = r * RCHUNK

    for j in range(SC_NWIN):
        slot = j % 2

        if j >= 2:
            pltpu.make_async_copy(
                vbuf.at[slot, pl.ds(6, SC_WIN)],
                out_hbm.at[b, pl.ds(PREFIX, SC_WIN)],
                sems.at[slot],
            ).wait()

        first = (j == 0)
        if first:

            @pl.when(r == 0)
            def _edge():
                pltpu.sync_copy(
                    x_hbm.at[b, pl.ds(0, SC_WIN)],
                    vbuf.at[slot, pl.ds(8, SC_WIN)],
                )

            @pl.when(r != 0)
            def _normal():
                pltpu.sync_copy(
                    x_hbm.at[b, pl.ds(base - 8, SC_GATH)],
                    vbuf.at[slot, pl.ds(0, SC_GATH)],
                )
        else:
            pltpu.sync_copy(
                x_hbm.at[b, pl.ds(base + j * SC_WIN - 8, SC_GATH)],
                vbuf.at[slot, pl.ds(0, SC_GATH)],
            )

        pltpu.async_copy(
            vbuf.at[slot, pl.ds(6, SC_WIN)],
            out_hbm.at[b, pl.ds(PREFIX - 2 + base + j * SC_WIN, SC_WIN)],
            sems.at[slot],
        )

    for slot in range(2):
        pltpu.make_async_copy(
            vbuf.at[slot, pl.ds(6, SC_WIN)],
            out_hbm.at[b, pl.ds(PREFIX, SC_WIN)],
            sems.at[slot],
        ).wait()

    @pl.when(r == NCHUNK - 1)
    def _tail():
        pltpu.sync_copy(
            vbuf.at[(SC_NWIN - 1) % 2, pl.ds(38, 2)],
            out_hbm.at[b, pl.ds(PREFIX - 2 + SEQ, 2)],
        )


def _sc_copy(x):
    mesh = plsc.VectorSubcoreMesh(core_axis_name="c", subcore_axis_name="s")
    f = functools.partial(
        pl.kernel,
        out_type=jax.ShapeDtypeStruct((NB, PREFIX + SEQ, D_MODEL), jnp.float32),
        mesh=mesh,
        scratch_types=[
            pltpu.VMEM((2, SC_GATH, D_MODEL), jnp.float32),
            pltpu.SemaphoreType.DMA((2,)),
        ],
        compiler_params=pltpu.CompilerParams(use_tc_tiling_on_sc=False),
    )(_sc_copy_body)
    return f(x)




def _finish_body(out_in_ref, q_ref, pf_ref, keys_ref, out_ref, idx_ref, selbuf, sem):
    b = pl.program_id(0)
    q = q_ref[0, 0:1, :]
    qn = q / jnp.maximum(jnp.sqrt(jnp.sum(q * q)), 1e-12)

    k = keys_ref[:]
    knorm = jnp.sqrt(jnp.sum(k * k, axis=1, keepdims=True))
    kn = k / jnp.maximum(knorm, 1e-12)

    sim = lax.dot_general(
        qn, kn, (((1,), (1,)), ((), ())), preferred_element_type=jnp.float32
    )

    iota = lax.broadcasted_iota(jnp.int32, (1, POOL_SIZE), 1)
    idxs = []
    cur = sim
    for t in range(TOP_K):
        m = jnp.max(cur)
        it = jnp.min(jnp.where(cur == m, iota, POOL_SIZE))
        idx_ref[0, 0, t] = it
        idxs.append(it)
        cur = jnp.where(iota == it, -jnp.inf, cur)

    r_i = lax.broadcasted_iota(jnp.int32, (PREFIX, POOL_SIZE * PROMPT_LENGTH), 0)
    c_i = lax.broadcasted_iota(jnp.int32, (PREFIX, POOL_SIZE * PROMPT_LENGTH), 1)
    kk = r_i // PROMPT_LENGTH
    within = r_i % PROMPT_LENGTH
    sel_idx = jnp.zeros_like(kk)
    for t, it in enumerate(idxs):
        sel_idx = jnp.where(kk == t, it, sel_idx)
    oh = (c_i == sel_idx * PROMPT_LENGTH + within).astype(jnp.float32)
    selbuf[0:PREFIX, :] = lax.dot_general(
        oh, pf_ref[:], (((1,), (0,)), ((), ())),
        preferred_element_type=jnp.float32,
    )

    cp_a = pltpu.make_async_copy(
        selbuf.at[pl.ds(0, 48)], out_ref.at[b, pl.ds(0, 48)], sem
    )
    cp_b = pltpu.make_async_copy(
        selbuf.at[pl.ds(48, 2)], out_ref.at[b, pl.ds(48, 2)], sem
    )
    cp_a.start()
    cp_b.start()
    cp_a.wait()
    cp_b.wait()


def _finish(out_body, q8, pf, keys):
    return pl.pallas_call(
        _finish_body,
        grid=(NB,),
        in_specs=[
            pl.BlockSpec(memory_space=pl.ANY),
            pl.BlockSpec((1, 8, D_MODEL), lambda b: (b, 0, 0)),
            pl.BlockSpec((POOL_SIZE * PROMPT_LENGTH, D_MODEL), lambda b: (0, 0)),
            pl.BlockSpec((POOL_SIZE, D_MODEL), lambda b: (0, 0)),
        ],
        out_specs=[
            pl.BlockSpec(memory_space=pl.ANY),
            pl.BlockSpec(
                (1, 1, TOP_K), lambda b: (b, 0, 0), memory_space=pltpu.SMEM
            ),
        ],
        out_shape=[
            jax.ShapeDtypeStruct((NB, PREFIX + SEQ, D_MODEL), jnp.float32),
            jax.ShapeDtypeStruct((NB, 1, TOP_K), jnp.int32),
        ],
        scratch_shapes=[
            pltpu.VMEM((PREFIX + 6, D_MODEL), jnp.float32),
            pltpu.SemaphoreType.DMA,
        ],
        input_output_aliases={0: 0},
    )(out_body, q8, pf, keys)


@functools.partial(jax.jit)
def kernel(x, prompts, keys):
    B = x.shape[0]
    pf = prompts.reshape(POOL_SIZE * PROMPT_LENGTH, D_MODEL)
    q8 = _mean(x)
    out_body = _sc_copy(x)
    out, idx3 = _finish(out_body, q8, pf, keys)
    return (out, idx3.reshape(B, TOP_K))

# --- scband reference (transcript-rebuilt; emitter-appended) ---
"""Pipeline reference for scband-l2-prompt-pool-78554951843975 (READ-ONLY COPY).

The authoritative reference and input builder live on the scoring server;
editing this copy changes nothing except your own understanding.
"""

import jax, jax.numpy as jnp
import numpy as np

POOL_SIZE = 100
PROMPT_LENGTH = 10
D_MODEL = 1024
TOP_K = 5

def setup_inputs(seed: int = 0) -> dict:
    key = jax.random.key(seed)
    k1, k2, k3 = jax.random.split(key, 3)
    x = jax.random.normal(k1, (4, 2048, D_MODEL), dtype=jnp.float32)
    prompts = jax.random.normal(k2, (POOL_SIZE, PROMPT_LENGTH, D_MODEL), dtype=jnp.float32) * 0.01
    keys = jax.random.normal(k3, (POOL_SIZE, D_MODEL), dtype=jnp.float32) * 0.01
    return {"x": x, "prompts": prompts, "keys": keys}

def _l2_normalize(v, axis, eps=1e-12):
    norm = jnp.linalg.norm(v, ord=2, axis=axis, keepdims=True)
    return v / jnp.maximum(norm, eps)

def reference(x, prompts, keys):
    B_real = x.shape[0]
    d_model = x.shape[2]
    query = x.mean(axis=1)
    query_norm = _l2_normalize(query, axis=1)
    keys_norm = _l2_normalize(keys, axis=1)
    similarity = jnp.matmul(query_norm, keys_norm.T)
    _, top_k_indices = jax.lax.top_k(similarity, TOP_K)
    # gather selected prompts: [B, top_k, prompt_length, d_model]
    selected_prompts = jnp.take(prompts, top_k_indices, axis=0)
    selected_prompts_flat = selected_prompts.reshape(B_real, -1, d_model)
    x_with_prompts = jnp.concatenate([selected_prompts_flat, x], axis=1)
    return (x_with_prompts, top_k_indices)

if __name__ == "__main__":
    import jax
    _d = setup_inputs()
    print(jax.jit(kernel)(*tuple(_d.values())))

</pallas_src>

<mosaic_0001>
#map = affine_map<(d0, d1) -> (0, 0, 0)>
module attributes {stable_mosaic.version = 14 : i64} {
  func.func @_sc_copy_body(%arg0: i32, %arg1: i32, %arg2: memref<4x2048x1024xf32, #tpu.memory_space<hbm>>, %arg3: memref<4x2098x1024xf32, #tpu.memory_space<hbm>>, %arg4: memref<2x40x1024xf32, #tpu.memory_space<vmem>>, %arg5: memref<2x!tpu.dma_semaphore, #tpu.memory_space<semaphore_mem>>) attributes {dimension_semantics = [#tpu.dimension_semantics<core_parallel>, #tpu.dimension_semantics<subcore_parallel>], iteration_bounds = array<i64: 2, 16>, scalar_prefetch = 0 : i64, scratch_operands = 2 : i64, tpu.core_type = #tpu.core_type<sc_vector_subcore>, window_params = [{transform_indices = #map}, {transform_indices = #map}]} {
    %mul3A = arith.constant 2 : i32
    %mul3A_0 = arith.muli %arg1, %mul3A : i32
    %add3A = arith.addi %mul3A_0, %arg0 : i32
    %jit3A = arith.constant 8 : i32
    %div3A = arith.divsi %add3A, %jit3A : i32
    %sign3A = arith.constant 0 : i32
    %sign3A_1 = arith.cmpi sgt, %add3A, %sign3A : i32
    %sign3A_2 = arith.extui %sign3A_1 : i1 to i32
    %sign3A_3 = arith.constant 0 : i32
    %sign3A_4 = arith.cmpi slt, %add3A, %sign3A_3 : i32
    %sign3A_5 = arith.extui %sign3A_4 : i1 to i32
    %sign3A_6 = arith.subi %sign3A_2, %sign3A_5 : i32
    %sign3A_7 = arith.constant 0 : i32
    %sign3A_8 = arith.cmpi sgt, %jit3A, %sign3A_7 : i32
    %sign3A_9 = arith.extui %sign3A_8 : i1 to i32
    %sign3A_10 = arith.constant 0 : i32
    %sign3A_11 = arith.cmpi slt, %jit3A, %sign3A_10 : i32
    %sign3A_12 = arith.extui %sign3A_11 : i1 to i32
    %sign3A_13 = arith.subi %sign3A_9, %sign3A_12 : i32
    %ne3A = arith.cmpi ne, %sign3A_6, %sign3A_13 : i32
    %rem3A = arith.remsi %add3A, %jit3A : i32
    %ne3A_14 = arith.constant 0 : i32
    %ne3A_15 = arith.cmpi ne, %rem3A, %ne3A_14 : i32
    %and3A = arith.andi %ne3A, %ne3A_15 : i1
    %sub3A = arith.constant 1 : i32
    %sub3A_16 = arith.subi %div3A, %sub3A : i32
    %select_n3A = arith.select %and3A, %sub3A_16, %div3A : i32
    %rem3A_17 = arith.constant 8 : i32
    %rem3A_18 = arith.remsi %add3A, %rem3A_17 : i32
    %mul3A_19 = arith.constant 256 : i32
    %mul3A_20 = arith.muli %rem3A_18, %mul3A_19 : i32
    %eq3A = arith.constant 0 : i32
    %eq3A_21 = arith.cmpi eq, %rem3A_18, %eq3A : i32
    %convert_element_type3A = arith.extui %eq3A_21 : i1 to i32
    %cond3A = arith.constant 0 : i32
    %cond3A_22 = arith.cmpi ne, %convert_element_type3A, %cond3A : i32
    scf.if %cond3A_22 {
      %run_scoped3A_401 = arith.constant 0 : i32
      "tpu.region"() ({
        %run_scoped3A_402 = tpu.sem_alloc : memref<!tpu.dma_semaphore, #tpu.memory_space<semaphore_mem>>
        %dma_start3A_403 = arith.constant 8 : i32
        %dma_start3A_404 = arith.constant 0 : i32
        %dma_start3A_405 = tpu.memref_slice %arg4[%run_scoped3A_401, %dma_start3A_403, %dma_start3A_404] : memref<2x40x1024xf32, #tpu.memory_space<vmem>> -> memref<1x32x1024xf32, #tpu.memory_space<vmem>>
        %dma_start3A_406 = tpu.memref_squeeze %dma_start3A_405 : memref<1x32x1024xf32, #tpu.memory_space<vmem>> -> memref<32x1024xf32, #tpu.memory_space<vmem>>
        %dma_start3A_407 = arith.constant 0 : i32
        %dma_start3A_408 = arith.constant 0 : i32
        %dma_start3A_409 = tpu.memref_slice %arg2[%select_n3A, %dma_start3A_407, %dma_start3A_408] : memref<4x2048x1024xf32, #tpu.memory_space<hbm>> -> memref<1x32x1024xf32, #tpu.memory_space<hbm>>
        %dma_start3A_410 = tpu.memref_squeeze %dma_start3A_409 : memref<1x32x1024xf32, #tpu.memory_space<hbm>> -> memref<32x1024xf32, #tpu.memory_space<hbm>>
        %dma_start3A_411 = arith.constant 8 : i32
        %dma_start3A_412 = arith.constant 0 : i32
        %dma_start3A_413 = tpu.memref_slice %arg4[%run_scoped3A_401, %dma_start3A_411, %dma_start3A_412] : memref<2x40x1024xf32, #tpu.memory_space<vmem>> -> memref<1x32x1024xf32, #tpu.memory_space<vmem>>
        %dma_start3A_414 = tpu.memref_squeeze %dma_start3A_413 : memref<1x32x1024xf32, #tpu.memory_space<vmem>> -> memref<32x1024xf32, #tpu.memory_space<vmem>>
        %dma_start3A_415 = arith.constant 0 : i32
        %dma_start3A_416 = arith.constant 0 : i32
        %dma_start3A_417 = tpu.memref_slice %arg2[%select_n3A, %dma_start3A_415, %dma_start3A_416] : memref<4x2048x1024xf32, #tpu.memory_space<hbm>> -> memref<1x32x1024xf32, #tpu.memory_space<hbm>>
        %dma_start3A_418 = tpu.memref_squeeze %dma_start3A_417 : memref<1x32x1024xf32, #tpu.memory_space<hbm>> -> memref<32x1024xf32, #tpu.memory_space<hbm>>
        tpu.enqueue_dma source(%dma_start3A_418 : memref<32x1024xf32, #tpu.memory_space<hbm>>) target(%dma_start3A_414 : memref<32x1024xf32, #tpu.memory_space<vmem>>) target_semaphore(%run_scoped3A_402 : memref<!tpu.dma_semaphore, #tpu.memory_space<semaphore_mem>>)
        %dma_wait3A_419 = arith.constant 8 : i32
        %dma_wait3A_420 = arith.constant 0 : i32
        %dma_wait3A_421 = tpu.memref_slice %arg4[%run_scoped3A_401, %dma_wait3A_419, %dma_wait3A_420] : memref<2x40x1024xf32, #tpu.memory_space<vmem>> -> memref<1x32x1024xf32, #tpu.memory_space<vmem>>
        %dma_wait3A_422 = tpu.memref_squeeze %dma_wait3A_421 : memref<1x32x1024xf32, #tpu.memory_space<vmem>> -> memref<32x1024xf32, #tpu.memory_space<vmem>>
        %dma_wait3A_423 = arith.constant 0 : i32
        %dma_wait3A_424 = arith.constant 0 : i32
        %dma_wait3A_425 = tpu.memref_slice %arg2[%select_n3A, %dma_wait3A_423, %dma_wait3A_424] : memref<4x2048x1024xf32, #tpu.memory_space<hbm>> -> memref<1x32x1024xf32, #tpu.memory_space<hbm>>
        %dma_wait3A_426 = tpu.memref_squeeze %dma_wait3A_425 : memref<1x32x1024xf32, #tpu.memory_space<hbm>> -> memref<32x1024xf32, #tpu.memory_space<hbm>>
        %dma_wait3A_427 = arith.constant 8 : i32
        %dma_wait3A_428 = arith.constant 0 : i32
        %dma_wait3A_429 = tpu.memref_slice %arg4[%run_scoped3A_401, %dma_wait3A_427, %dma_wait3A_428] : memref<2x40x1024xf32, #tpu.memory_space<vmem>> -> memref<1x32x1024xf32, #tpu.memory_space<vmem>>
        %dma_wait3A_430 = tpu.memref_squeeze %dma_wait3A_429 : memref<1x32x1024xf32, #tpu.memory_space<vmem>> -> memref<32x1024xf32, #tpu.memory_space<vmem>>
        %dma_wait3A_431 = arith.constant 0 : i32
        %dma_wait3A_432 = arith.constant 0 : i32
        %dma_wait3A_433 = tpu.memref_slice %arg2[%select_n3A, %dma_wait3A_431, %dma_wait3A_432] : memref<4x2048x1024xf32, #tpu.memory_space<hbm>> -> memref<1x32x1024xf32, #tpu.memory_space<hbm>>
        %dma_wait3A_434 = tpu.memref_squeeze %dma_wait3A_433 : memref<1x32x1024xf32, #tpu.memory_space<hbm>> -> memref<32x1024xf32, #tpu.memory_space<hbm>>
        tpu.wait_dma2 semaphore(%run_scoped3A_402 : memref<!tpu.dma_semaphore, #tpu.memory_space<semaphore_mem>>) src(%dma_wait3A_434 : memref<32x1024xf32, #tpu.memory_space<hbm>>) dst(%dma_wait3A_430 : memref<32x1024xf32, #tpu.memory_space<vmem>>)
        tpu.yield
      }) : () -> ()
    } else {
    }
    %ne3A_23 = arith.constant 0 : i32
    %ne3A_24 = arith.cmpi ne, %rem3A_18, %ne3A_23 : i32
    %convert_element_type3A_25 = arith.extui %ne3A_24 : i1 to i32
    %cond3A_26 = arith.constant 0 : i32
    %cond3A_27 = arith.cmpi ne, %convert_element_type3A_25, %cond3A_26 : i32
    scf.if %cond3A_27 {
      %sub3A_401 = arith.constant 8 : i32
      %sub3A_402 = arith.subi %mul3A_20, %sub3A_401 : i32
      %run_scoped3A_403 = arith.constant 0 : i32
      "tpu.region"() ({
        %run_scoped3A_404 = tpu.sem_alloc : memref<!tpu.dma_semaphore, #tpu.memory_space<semaphore_mem>>
        %dma_start3A_405 = arith.constant 0 : i32
        %dma_start3A_406 = arith.constant 0 : i32
        %dma_start3A_407 = tpu.memref_slice %arg4[%run_scoped3A_403, %dma_start3A_405, %dma_start3A_406] : memref<2x40x1024xf32, #tpu.memory_space<vmem>> -> memref<1x40x1024xf32, #tpu.memory_space<vmem>>
        %dma_start3A_408 = tpu.memref_squeeze %dma_start3A_407 : memref<1x40x1024xf32, #tpu.memory_space<vmem>> -> memref<40x1024xf32, #tpu.memory_space<vmem>>
        %dma_start3A_409 = arith.constant 0 : i32
        %dma_start3A_410 = tpu.memref_slice %arg2[%select_n3A, %sub3A_402, %dma_start3A_409] : memref<4x2048x1024xf32, #tpu.memory_space<hbm>> -> memref<1x40x1024xf32, #tpu.memory_space<hbm>>
        %dma_start3A_411 = tpu.memref_squeeze %dma_start3A_410 : memref<1x40x1024xf32, #tpu.memory_space<hbm>> -> memref<40x1024xf32, #tpu.memory_space<hbm>>
        %dma_start3A_412 = arith.constant 0 : i32
        %dma_start3A_413 = arith.constant 0 : i32
        %dma_start3A_414 = tpu.memref_slice %arg4[%run_scoped3A_403, %dma_start3A_412, %dma_start3A_413] : memref<2x40x1024xf32, #tpu.memory_space<vmem>> -> memref<1x40x1024xf32, #tpu.memory_space<vmem>>
        %dma_start3A_415 = tpu.memref_squeeze %dma_start3A_414 : memref<1x40x1024xf32, #tpu.memory_space<vmem>> -> memref<40x1024xf32, #tpu.memory_space<vmem>>
        %dma_start3A_416 = arith.constant 0 : i32
        %dma_start3A_417 = tpu.memref_slice %arg2[%select_n3A, %sub3A_402, %dma_start3A_416] : memref<4x2048x1024xf32, #tpu.memory_space<hbm>> -> memref<1x40x1024xf32, #tpu.memory_space<hbm>>
        %dma_start3A_418 = tpu.memref_squeeze %dma_start3A_417 : memref<1x40x1024xf32, #tpu.memory_space<hbm>> -> memref<40x1024xf32, #tpu.memory_space<hbm>>
        tpu.enqueue_dma source(%dma_start3A_418 : memref<40x1024xf32, #tpu.memory_space<hbm>>) target(%dma_start3A_415 : memref<40x1024xf32, #tpu.memory_space<vmem>>) target_semaphore(%run_scoped3A_404 : memref<!tpu.dma_semaphore, #tpu.memory_space<semaphore_mem>>)
        %dma_wait3A_419 = arith.constant 0 : i32
        %dma_wait3A_420 = arith.constant 0 : i32
        %dma_wait3A_421 = tpu.memref_slice %arg4[%run_scoped3A_403, %dma_wait3A_419, %dma_wait3A_420] : memref<2x40x1024xf32, #tpu.memory_space<vmem>> -> memref<1x40x1024xf32, #tpu.memory_space<vmem>>
        %dma_wait3A_422 = tpu.memref_squeeze %dma_wait3A_421 : memref<1x40x1024xf32, #tpu.memory_space<vmem>> -> memref<40x1024xf32, #tpu.memory_space<vmem>>
        %dma_wait3A_423 = arith.constant 0 : i32
        %dma_wait3A_424 = tpu.memref_slice %arg2[%select_n3A, %sub3A_402, %dma_wait3A_423] : memref<4x2048x1024xf32, #tpu.memory_space<hbm>> -> memref<1x40x1024xf32, #tpu.memory_space<hbm>>
        %dma_wait3A_425 = tpu.memref_squeeze %dma_wait3A_424 : memref<1x40x1024xf32, #tpu.memory_space<hbm>> -> memref<40x1024xf32, #tpu.memory_space<hbm>>
        %dma_wait3A_426 = arith.constant 0 : i32
        %dma_wait3A_427 = arith.constant 0 : i32
        %dma_wait3A_428 = tpu.memref_slice %arg4[%run_scoped3A_403, %dma_wait3A_426, %dma_wait3A_427] : memref<2x40x1024xf32, #tpu.memory_space<vmem>> -> memref<1x40x1024xf32, #tpu.memory_space<vmem>>
        %dma_wait3A_429 = tpu.memref_squeeze %dma_wait3A_428 : memref<1x40x1024xf32, #tpu.memory_space<vmem>> -> memref<40x1024xf32, #tpu.memory_space<vmem>>
        %dma_wait3A_430 = arith.constant 0 : i32
        %dma_wait3A_431 = tpu.memref_slice %arg2[%select_n3A, %sub3A_402, %dma_wait3A_430] : memref<4x2048x1024xf32, #tpu.memory_space<hbm>> -> memref<1x40x1024xf32, #tpu.memory_space<hbm>>
        %dma_wait3A_432 = tpu.memref_squeeze %dma_wait3A_431 : memref<1x40x1024xf32, #tpu.memory_space<hbm>> -> memref<40x1024xf32, #tpu.memory_space<hbm>>
        tpu.wait_dma2 semaphore(%run_scoped3A_404 : memref<!tpu.dma_semaphore, #tpu.memory_space<semaphore_mem>>) src(%dma_wait3A_432 : memref<40x1024xf32, #tpu.memory_space<hbm>>) dst(%dma_wait3A_429 : memref<40x1024xf32, #tpu.memory_space<vmem>>)
        tpu.yield
      }) : () -> ()
    } else {
    }
    %add3A_28 = arith.constant 48 : i32
    %add3A_29 = arith.addi %add3A_28, %mul3A_20 : i32
    %add3A_30 = arith.constant 0 : i32
    %add3A_31 = arith.addi %add3A_29, %add3A_30 : i32
    %dma_start3A = arith.constant 0 : i32
    %dma_start3A_32 = arith.constant 0 : i32
    %dma_start3A_33 = arith.constant 6 : i32
    %dma_start3A_34 = arith.constant 0 : i32
    %dma_start3A_35 = tpu.memref_slice %arg4[%dma_start3A, %dma_start3A_33, %dma_start3A_34] : memref<2x40x1024xf32, #tpu.memory_space<vmem>> -> memref<1x32x1024xf32, #tpu.memory_space<vmem>>
    %dma_start3A_36 = tpu.memref_squeeze %dma_start3A_35 : memref<1x32x1024xf32, #tpu.memory_space<vmem>> -> memref<32x1024xf32, #tpu.memory_space<vmem>>
    %dma_start3A_37 = arith.constant 0 : i32
    %dma_start3A_38 = tpu.memref_slice %arg3[%select_n3A, %add3A_31, %dma_start3A_37] : memref<4x2098x1024xf32, #tpu.memory_space<hbm>> -> memref<1x32x1024xf32, #tpu.memory_space<hbm>>
    %dma_start3A_39 = tpu.memref_squeeze %dma_start3A_38 : memref<1x32x1024xf32, #tpu.memory_space<hbm>> -> memref<32x1024xf32, #tpu.memory_space<hbm>>
    %dma_start3A_40 = tpu.memref_slice %arg5[%dma_start3A_32] : memref<2x!tpu.dma_semaphore, #tpu.memory_space<semaphore_mem>> -> memref<1x!tpu.dma_semaphore, #tpu.memory_space<semaphore_mem>>
    %dma_start3A_41 = tpu.memref_squeeze %dma_start3A_40 : memref<1x!tpu.dma_semaphore, #tpu.memory_space<semaphore_mem>> -> memref<!tpu.dma_semaphore, #tpu.memory_space<semaphore_mem>>
    %dma_start3A_42 = arith.constant 0 : i32
    %dma_start3A_43 = tpu.memref_slice %arg3[%select_n3A, %add3A_31, %dma_start3A_42] : memref<4x2098x1024xf32, #tpu.memory_space<hbm>> -> memref<1x32x1024xf32, #tpu.memory_space<hbm>>
    %dma_start3A_44 = tpu.memref_squeeze %dma_start3A_43 : memref<1x32x1024xf32, #tpu.memory_space<hbm>> -> memref<32x1024xf32, #tpu.memory_space<hbm>>
    %dma_start3A_45 = arith.constant 6 : i32
    %dma_start3A_46 = arith.constant 0 : i32
    %dma_start3A_47 = tpu.memref_slice %arg4[%dma_start3A, %dma_start3A_45, %dma_start3A_46] : memref<2x40x1024xf32, #tpu.memory_space<vmem>> -> memref<1x32x1024xf32, #tpu.memory_space<vmem>>
    %dma_start3A_48 = tpu.memref_squeeze %dma_start3A_47 : memref<1x32x1024xf32, #tpu.memory_space<vmem>> -> memref<32x1024xf32, #tpu.memory_space<vmem>>
    tpu.enqueue_dma source(%dma_start3A_48 : memref<32x1024xf32, #tpu.memory_space<vmem>>) target(%dma_start3A_44 : memref<32x1024xf32, #tpu.memory_space<hbm>>) target_semaphore(%dma_start3A_41 : memref<!tpu.dma_semaphore, #tpu.memory_space<semaphore_mem>>)
    %add3A_49 = arith.constant 32 : i32
    %add3A_50 = arith.addi %mul3A_20, %add3A_49 : i32
    %sub3A_51 = arith.constant 8 : i32
    %sub3A_52 = arith.subi %add3A_50, %sub3A_51 : i32
    %run_scoped3A = arith.constant 1 : i32
    "tpu.region"() ({
      %run_scoped3A_401 = tpu.sem_alloc : memref<!tpu.dma_semaphore, #tpu.memory_space<semaphore_mem>>
      %dma_start3A_402 = arith.constant 0 : i32
      %dma_start3A_403 = arith.constant 0 : i32
      %dma_start3A_404 = tpu.memref_slice %arg4[%run_scoped3A, %dma_start3A_402, %dma_start3A_403] : memref<2x40x1024xf32, #tpu.memory_space<vmem>> -> memref<1x40x1024xf32, #tpu.memory_space<vmem>>
      %dma_start3A_405 = tpu.memref_squeeze %dma_start3A_404 : memref<1x40x1024xf32, #tpu.memory_space<vmem>> -> memref<40x1024xf32, #tpu.memory_space<vmem>>
      %dma_start3A_406 = arith.constant 0 : i32
      %dma_start3A_407 = tpu.memref_slice %arg2[%select_n3A, %sub3A_52, %dma_start3A_406] : memref<4x2048x1024xf32, #tpu.memory_space<hbm>> -> memref<1x40x1024xf32, #tpu.memory_space<hbm>>
      %dma_start3A_408 = tpu.memref_squeeze %dma_start3A_407 : memref<1x40x1024xf32, #tpu.memory_space<hbm>> -> memref<40x1024xf32, #tpu.memory_space<hbm>>
      %dma_start3A_409 = arith.constant 0 : i32
      %dma_start3A_410 = arith.constant 0 : i32
      %dma_start3A_411 = tpu.memref_slice %arg4[%run_scoped3A, %dma_start3A_409, %dma_start3A_410] : memref<2x40x1024xf32, #tpu.memory_space<vmem>> -> memref<1x40x1024xf32, #tpu.memory_space<vmem>>
      %dma_start3A_412 = tpu.memref_squeeze %dma_start3A_411 : memref<1x40x1024xf32, #tpu.memory_space<vmem>> -> memref<40x1024xf32, #tpu.memory_space<vmem>>
      %dma_start3A_413 = arith.constant 0 : i32
      %dma_start3A_414 = tpu.memref_slice %arg2[%select_n3A, %sub3A_52, %dma_start3A_413] : memref<4x2048x1024xf32, #tpu.memory_space<hbm>> -> memref<1x40x1024xf32, #tpu.memory_space<hbm>>
      %dma_start3A_415 = tpu.memref_squeeze %dma_start3A_414 : memref<1x40x1024xf32, #tpu.memory_space<hbm>> -> memref<40x1024xf32, #tpu.memory_space<hbm>>
      tpu.enqueue_dma source(%dma_start3A_415 : memref<40x1024xf32, #tpu.memory_space<hbm>>) target(%dma_start3A_412 : memref<40x1024xf32, #tpu.memory_space<vmem>>) target_semaphore(%run_scoped3A_401 : memref<!tpu.dma_semaphore, #tpu.memory_space<semaphore_mem>>)
      %dma_wait3A_416 = arith.constant 0 : i32
      %dma_wait3A_417 = arith.constant 0 : i32
      %dma_wait3A_418 = tpu.memref_slice %arg4[%run_scoped3A, %dma_wait3A_416, %dma_wait3A_417] : memref<2x40x1024xf32, #tpu.memory_space<vmem>> -> memref<1x40x1024xf32, #tpu.memory_space<vmem>>
      %dma_wait3A_419 = tpu.memref_squeeze %dma_wait3A_418 : memref<1x40x1024xf32, #tpu.memory_space<vmem>> -> memref<40x1024xf32, #tpu.memory_space<vmem>>
      %dma_wait3A_420 = arith.constant 0 : i32
      %dma_wait3A_421 = tpu.memref_slice %arg2[%select_n3A, %sub3A_52, %dma_wait3A_420] : memref<4x2048x1024xf32, #tpu.memory_space<hbm>> -> memref<1x40x1024xf32, #tpu.memory_space<hbm>>
      %dma_wait3A_422 = tpu.memref_squeeze %dma_wait3A_421 : memref<1x40x1024xf32, #tpu.memory_space<hbm>> -> memref<40x1024xf32, #tpu.memory_space<hbm>>
      %dma_wait3A_423 = arith.constant 0 : i32
      %dma_wait3A_424 = arith.constant 0 : i32
      %dma_wait3A_425 = tpu.memref_slice %arg4[%run_scoped3A, %dma_wait3A_423, %dma_wait3A_424] : memref<2x40x1024xf32, #tpu.memory_space<vmem>> -> memref<1x40x1024xf32, #tpu.memory_space<vmem>>
      %dma_wait3A_426 = tpu.memref_squeeze %dma_wait3A_425 : memref<1x40x1024xf32, #tpu.memory_space<vmem>> -> memref<40x1024xf32, #tpu.memory_space<vmem>>
      %dma_wait3A_427 = arith.constant 0 : i32
      %dma_wait3A_428 = tpu.memref_slice %arg2[%select_n3A, %sub3A_52, %dma_wait3A_427] : memref<4x2048x1024xf32, #tpu.memory_space<hbm>> -> memref<1x40x1024xf32, #tpu.memory_space<hbm>>
      %dma_wait3A_429 = tpu.memref_squeeze %dma_wait3A_428 : memref<1x40x1024xf32, #tpu.memory_space<hbm>> -> memref<40x1024xf32, #tpu.memory_space<hbm>>
      tpu.wait_dma2 semaphore(%run_scoped3A_401 : memref<!tpu.dma_semaphore, #tpu.memory_space<semaphore_mem>>) src(%dma_wait3A_429 : memref<40x1024xf32, #tpu.memory_space<hbm>>) dst(%dma_wait3A_426 : memref<40x1024xf32, #tpu.memory_space<vmem>>)
      tpu.yield
    }) : () -> ()
    %add3A_53 = arith.constant 48 : i32
    %add3A_54 = arith.addi %add3A_53, %mul3A_20 : i32
    %add3A_55 = arith.constant 32 : i32
    %add3A_56 = arith.addi %add3A_54, %add3A_55 : i32
    %dma_start3A_57 = arith.constant 1 : i32
    %dma_start3A_58 = arith.constant 1 : i32
    %dma_start3A_59 = arith.constant 6 : i32
    %dma_start3A_60 = arith.constant 0 : i32
    %dma_start3A_61 = tpu.memref_slice %arg4[%dma_start3A_57, %dma_start3A_59, %dma_start3A_60] : memref<2x40x1024xf32, #tpu.memory_space<vmem>> -> memref<1x32x1024xf32, #tpu.memory_space<vmem>>
    %dma_start3A_62 = tpu.memref_squeeze %dma_start3A_61 : memref<1x32x1024xf32, #tpu.memory_space<vmem>> -> memref<32x1024xf32, #tpu.memory_space<vmem>>
    %dma_start3A_63 = arith.constant 0 : i32
    %dma_start3A_64 = tpu.memref_slice %arg3[%select_n3A, %add3A_56, %dma_start3A_63] : memref<4x2098x1024xf32, #tpu.memory_space<hbm>> -> memref<1x32x1024xf32, #tpu.memory_space<hbm>>
    %dma_start3A_65 = tpu.memref_squeeze %dma_start3A_64 : memref<1x32x1024xf32, #tpu.memory_space<hbm>> -> memref<32x1024xf32, #tpu.memory_space<hbm>>
    %dma_start3A_66 = tpu.memref_slice %arg5[%dma_start3A_58] : memref<2x!tpu.dma_semaphore, #tpu.memory_space<semaphore_mem>> -> memref<1x!tpu.dma_semaphore, #tpu.memory_space<semaphore_mem>>
    %dma_start3A_67 = tpu.memref_squeeze %dma_start3A_66 : memref<1x!tpu.dma_semaphore, #tpu.memory_space<semaphore_mem>> -> memref<!tpu.dma_semaphore, #tpu.memory_space<semaphore_mem>>
    %dma_start3A_68 = arith.constant 0 : i32
    %dma_start3A_69 = tpu.memref_slice %arg3[%select_n3A, %add3A_56, %dma_start3A_68] : memref<4x2098x1024xf32, #tpu.memory_space<hbm>> -> memref<1x32x1024xf32, #tpu.memory_space<hbm>>
    %dma_start3A_70 = tpu.memref_squeeze %dma_start3A_69 : memref<1x32x1024xf32, #tpu.memory_space<hbm>> -> memref<32x1024xf32, #tpu.memory_space<hbm>>
    %dma_start3A_71 = arith.constant 6 : i32
    %dma_start3A_72 = arith.constant 0 : i32
    %dma_start3A_73 = tpu.memref_slice %arg4[%dma_start3A_57, %dma_start3A_71, %dma_start3A_72] : memref<2x40x1024xf32, #tpu.memory_space<vmem>> -> memref<1x32x1024xf32, #tpu.memory_space<vmem>>
    %dma_start3A_74 = tpu.memref_squeeze %dma_start3A_73 : memref<1x32x1024xf32, #tpu.memory_space<vmem>> -> memref<32x1024xf32, #tpu.memory_space<vmem>>
    tpu.enqueue_dma source(%dma_start3A_74 : memref<32x1024xf32, #tpu.memory_space<vmem>>) target(%dma_start3A_70 : memref<32x1024xf32, #tpu.memory_space<hbm>>) target_semaphore(%dma_start3A_67 : memref<!tpu.dma_semaphore, #tpu.memory_space<semaphore_mem>>)
    %dma_wait3A = arith.constant 0 : i32
    %dma_wait3A_75 = arith.constant 0 : i32
    %dma_wait3A_76 = arith.constant 6 : i32
    %dma_wait3A_77 = arith.constant 0 : i32
    %dma_wait3A_78 = tpu.memref_slice %arg4[%dma_wait3A, %dma_wait3A_76, %dma_wait3A_77] : memref<2x40x1024xf32, #tpu.memory_space<vmem>> -> memref<1x32x1024xf32, #tpu.memory_space<vmem>>
    %dma_wait3A_79 = tpu.memref_squeeze %dma_wait3A_78 : memref<1x32x1024xf32, #tpu.memory_space<vmem>> -> memref<32x1024xf32, #tpu.memory_space<vmem>>
    %dma_wait3A_80 = arith.constant 50 : i32
    %dma_wait3A_81 = arith.constant 0 : i32
    %dma_wait3A_82 = tpu.memref_slice %arg3[%select_n3A, %dma_wait3A_80, %dma_wait3A_81] : memref<4x2098x1024xf32, #tpu.memory_space<hbm>> -> memref<1x32x1024xf32, #tpu.memory_space<hbm>>
    %dma_wait3A_83 = tpu.memref_squeeze %dma_wait3A_82 : memref<1x32x1024xf32, #tpu.memory_space<hbm>> -> memref<32x1024xf32, #tpu.memory_space<hbm>>
    %dma_wait3A_84 = tpu.memref_slice %arg5[%dma_wait3A_75] : memref<2x!tpu.dma_semaphore, #tpu.memory_space<semaphore_mem>> -> memref<1x!tpu.dma_semaphore, #tpu.memory_space<semaphore_mem>>
    %dma_wait3A_85 = tpu.memref_squeeze %dma_wait3A_84 : memref<1x!tpu.dma_semaphore, #tpu.memory_space<semaphore_mem>> -> memref<!tpu.dma_semaphore, #tpu.memory_space<semaphore_mem>>
    %dma_wait3A_86 = arith.constant 50 : i32
    %dma_wait3A_87 = arith.constant 0 : i32
    %dma_wait3A_88 = tpu.memref_slice %arg3[%select_n3A, %dma_wait3A_86, %dma_wait3A_87] : memref<4x2098x1024xf32, #tpu.memory_space<hbm>> -> memref<1x32x1024xf32, #tpu.memory_space<hbm>>
    %dma_wait3A_89 = tpu.memref_squeeze %dma_wait3A_88 : memref<1x32x1024xf32, #tpu.memory_space<hbm>> -> memref<32x1024xf32, #tpu.memory_space<hbm>>
    %dma_wait3A_90 = arith.constant 6 : i32
    %dma_wait3A_91 = arith.constant 0 : i32
    %dma_wait3A_92 = tpu.memref_slice %arg4[%dma_wait3A, %dma_wait3A_90, %dma_wait3A_91] : memref<2x40x1024xf32, #tpu.memory_space<vmem>> -> memref<1x32x1024xf32, #tpu.memory_space<vmem>>
    %dma_wait3A_93 = tpu.memref_squeeze %dma_wait3A_92 : memref<1x32x1024xf32, #tpu.memory_space<vmem>> -> memref<32x1024xf32, #tpu.memory_space<vmem>>
    tpu.wait_dma2 semaphore(%dma_wait3A_85 : memref<!tpu.dma_semaphore, #tpu.memory_space<semaphore_mem>>) src(%dma_wait3A_93 : memref<32x1024xf32, #tpu.memory_space<vmem>>) dst(%dma_wait3A_89 : memref<32x1024xf32, #tpu.memory_space<hbm>>)
    %add3A_94 = arith.constant 64 : i32
    %add3A_95 = arith.addi %mul3A_20, %add3A_94 : i32
    %sub3A_96 = arith.constant 8 : i32
    %sub3A_97 = arith.subi %add3A_95, %sub3A_96 : i32
    %run_scoped3A_98 = arith.constant 0 : i32
    "tpu.region"() ({
      %run_scoped3A_401 = tpu.sem_alloc : memref<!tpu.dma_semaphore, #tpu.memory_space<semaphore_mem>>
      %dma_start3A_402 = arith.constant 0 : i32
      %dma_start3A_403 = arith.constant 0 : i32
      %dma_start3A_404 = tpu.memref_slice %arg4[%run_scoped3A_98, %dma_start3A_402, %dma_start3A_403] : memref<2x40x1024xf32, #tpu.memory_space<vmem>> -> memref<1x40x1024xf32, #tpu.memory_space<vmem>>
      %dma_start3A_405 = tpu.memref_squeeze %dma_start3A_404 : memref<1x40x1024xf32, #tpu.memory_space<vmem>> -> memref<40x1024xf32, #tpu.memory_space<vmem>>
      %dma_start3A_406 = arith.constant 0 : i32
      %dma_start3A_407 = tpu.memref_slice %arg2[%select_n3A, %sub3A_97, %dma_start3A_406] : memref<4x2048x1024xf32, #tpu.memory_space<hbm>> -> memref<1x40x1024xf32, #tpu.memory_space<hbm>>
      %dma_start3A_408 = tpu.memref_squeeze %dma_start3A_407 : memref<1x40x1024xf32, #tpu.memory_space<hbm>> -> memref<40x1024xf32, #tpu.memory_space<hbm>>
      %dma_start3A_409 = arith.constant 0 : i32
      %dma_start3A_410 = arith.constant 0 : i32
      %dma_start3A_411 = tpu.memref_slice %arg4[%run_scoped3A_98, %dma_start3A_409, %dma_start3A_410] : memref<2x40x1024xf32, #tpu.memory_space<vmem>> -> memref<1x40x1024xf32, #tpu.memory_space<vmem>>
      %dma_start3A_412 = tpu.memref_squeeze %dma_start3A_411 : memref<1x40x1024xf32, #tpu.memory_space<vmem>> -> memref<40x1024xf32, #tpu.memory_space<vmem>>
      %dma_start3A_413 = arith.constant 0 : i32
      %dma_start3A_414 = tpu.memref_slice %arg2[%select_n3A, %sub3A_97, %dma_start3A_413] : memref<4x2048x1024xf32, #tpu.memory_space<hbm>> -> memref<1x40x1024xf32, #tpu.memory_space<hbm>>
      %dma_start3A_415 = tpu.memref_squeeze %dma_start3A_414 : memref<1x40x1024xf32, #tpu.memory_space<hbm>> -> memref<40x1024xf32, #tpu.memory_space<hbm>>
      tpu.enqueue_dma source(%dma_start3A_415 : memref<40x1024xf32, #tpu.memory_space<hbm>>) target(%dma_start3A_412 : memref<40x1024xf32, #tpu.memory_space<vmem>>) target_semaphore(%run_scoped3A_401 : memref<!tpu.dma_semaphore, #tpu.memory_space<semaphore_mem>>)
      %dma_wait3A_416 = arith.constant 0 : i32
      %dma_wait3A_417 = arith.constant 0 : i32
      %dma_wait3A_418 = tpu.memref_slice %arg4[%run_scoped3A_98, %dma_wait3A_416, %dma_wait3A_417] : memref<2x40x1024xf32, #tpu.memory_space<vmem>> -> memref<1x40x1024xf32, #tpu.memory_space<vmem>>
      %dma_wait3A_419 = tpu.memref_squeeze %dma_wait3A_418 : memref<1x40x1024xf32, #tpu.memory_space<vmem>> -> memref<40x1024xf32, #tpu.memory_space<vmem>>
      %dma_wait3A_420 = arith.constant 0 : i32
      %dma_wait3A_421 = tpu.memref_slice %arg2[%select_n3A, %sub3A_97, %dma_wait3A_420] : memref<4x2048x1024xf32, #tpu.memory_space<hbm>> -> memref<1x40x1024xf32, #tpu.memory_space<hbm>>
      %dma_wait3A_422 = tpu.memref_squeeze %dma_wait3A_421 : memref<1x40x1024xf32, #tpu.memory_space<hbm>> -> memref<40x1024xf32, #tpu.memory_space<hbm>>
      %dma_wait3A_423 = arith.constant 0 : i32
      %dma_wait3A_424 = arith.constant 0 : i32
      %dma_wait3A_425 = tpu.memref_slice %arg4[%run_scoped3A_98, %dma_wait3A_423, %dma_wait3A_424] : memref<2x40x1024xf32, #tpu.memory_space<vmem>> -> memref<1x40x1024xf32, #tpu.memory_space<vmem>>
      %dma_wait3A_426 = tpu.memref_squeeze %dma_wait3A_425 : memref<1x40x1024xf32, #tpu.memory_space<vmem>> -> memref<40x1024xf32, #tpu.memory_space<vmem>>
      %dma_wait3A_427 = arith.constant 0 : i32
      %dma_wait3A_428 = tpu.memref_slice %arg2[%select_n3A, %sub3A_97, %dma_wait3A_427] : memref<4x2048x1024xf32, #tpu.memory_space<hbm>> -> memref<1x40x1024xf32, #tpu.memory_space<hbm>>
      %dma_wait3A_429 = tpu.memref_squeeze %dma_wait3A_428 : memref<1x40x1024xf32, #tpu.memory_space<hbm>> -> memref<40x1024xf32, #tpu.memory_space<hbm>>
      tpu.wait_dma2 semaphore(%run_scoped3A_401 : memref<!tpu.dma_semaphore, #tpu.memory_space<semaphore_mem>>) src(%dma_wait3A_429 : memref<40x1024xf32, #tpu.memory_space<hbm>>) dst(%dma_wait3A_426 : memref<40x1024xf32, #tpu.memory_space<vmem>>)
      tpu.yield
    }) : () -> ()
    %add3A_99 = arith.constant 48 : i32
    %add3A_100 = arith.addi %add3A_99, %mul3A_20 : i32
    %add3A_101 = arith.constant 64 : i32
    %add3A_102 = arith.addi %add3A_100, %add3A_101 : i32
    %dma_start3A_103 = arith.constant 0 : i32
    %dma_start3A_104 = arith.constant 0 : i32
    %dma_start3A_105 = arith.constant 6 : i32
    %dma_start3A_106 = arith.constant 0 : i32
    %dma_start3A_107 = tpu.memref_slice %arg4[%dma_start3A_103, %dma_start3A_105, %dma_start3A_106] : memref<2x40x1024xf32, #tpu.memory_space<vmem>> -> memref<1x32x1024xf32, #tpu.memory_space<vmem>>
    %dma_start3A_108 = tpu.memref_squeeze %dma_start3A_107 : memref<1x32x1024xf32, #tpu.memory_space<vmem>> -> memref<32x1024xf32, #tpu.memory_space<vmem>>
    %dma_start3A_109 = arith.constant 0 : i32
    %dma_start3A_110 = tpu.memref_slice %arg3[%select_n3A, %add3A_102, %dma_start3A_109] : memref<4x2098x1024xf32, #tpu.memory_space<hbm>> -> memref<1x32x1024xf32, #tpu.memory_space<hbm>>
    %dma_start3A_111 = tpu.memref_squeeze %dma_start3A_110 : memref<1x32x1024xf32, #tpu.memory_space<hbm>> -> memref<32x1024xf32, #tpu.memory_space<hbm>>
    %dma_start3A_112 = tpu.memref_slice %arg5[%dma_start3A_104] : memref<2x!tpu.dma_semaphore, #tpu.memory_space<semaphore_mem>> -> memref<1x!tpu.dma_semaphore, #tpu.memory_space<semaphore_mem>>
    %dma_start3A_113 = tpu.memref_squeeze %dma_start3A_112 : memref<1x!tpu.dma_semaphore, #tpu.memory_space<semaphore_mem>> -> memref<!tpu.dma_semaphore, #tpu.memory_space<semaphore_mem>>
    %dma_start3A_114 = arith.constant 0 : i32
    %dma_start3A_115 = tpu.memref_slice %arg3[%select_n3A, %add3A_102, %dma_start3A_114] : memref<4x2098x1024xf32, #tpu.memory_space<hbm>> -> memref<1x32x1024xf32, #tpu.memory_space<hbm>>
    %dma_start3A_116 = tpu.memref_squeeze %dma_start3A_115 : memref<1x32x1024xf32, #tpu.memory_space<hbm>> -> memref<32x1024xf32, #tpu.memory_space<hbm>>
    %dma_start3A_117 = arith.constant 6 : i32
    %dma_start3A_118 = arith.constant 0 : i32
    %dma_start3A_119 = tpu.memref_slice %arg4[%dma_start3A_103, %dma_start3A_117, %dma_start3A_118] : memref<2x40x1024xf32, #tpu.memory_space<vmem>> -> memref<1x32x1024xf32, #tpu.memory_space<vmem>>
    %dma_start3A_120 = tpu.memref_squeeze %dma_start3A_119 : memref<1x32x1024xf32, #tpu.memory_space<vmem>> -> memref<32x1024xf32, #tpu.memory_space<vmem>>
    tpu.enqueue_dma source(%dma_start3A_120 : memref<32x1024xf32, #tpu.memory_space<vmem>>) target(%dma_start3A_116 : memref<32x1024xf32, #tpu.memory_space<hbm>>) target_semaphore(%dma_start3A_113 : memref<!tpu.dma_semaphore, #tpu.memory_space<semaphore_mem>>)
    %dma_wait3A_121 = arith.constant 1 : i32
    %dma_wait3A_122 = arith.constant 1 : i32
    %dma_wait3A_123 = arith.constant 6 : i32
    %dma_wait3A_124 = arith.constant 0 : i32
    %dma_wait3A_125 = tpu.memref_slice %arg4[%dma_wait3A_121, %dma_wait3A_123, %dma_wait3A_124] : memref<2x40x1024xf32, #tpu.memory_space<vmem>> -> memref<1x32x1024xf32, #tpu.memory_space<vmem>>
    %dma_wait3A_126 = tpu.memref_squeeze %dma_wait3A_125 : memref<1x32x1024xf32, #tpu.memory_space<vmem>> -> memref<32x1024xf32, #tpu.memory_space<vmem>>
    %dma_wait3A_127 = arith.constant 50 : i32
    %dma_wait3A_128 = arith.constant 0 : i32
    %dma_wait3A_129 = tpu.memref_slice %arg3[%select_n3A, %dma_wait3A_127, %dma_wait3A_128] : memref<4x2098x1024xf32, #tpu.memory_space<hbm>> -> memref<1x32x1024xf32, #tpu.memory_space<hbm>>
    %dma_wait3A_130 = tpu.memref_squeeze %dma_wait3A_129 : memref<1x32x1024xf32, #tpu.memory_space<hbm>> -> memref<32x1024xf32, #tpu.memory_space<hbm>>
    %dma_wait3A_131 = tpu.memref_slice %arg5[%dma_wait3A_122] : memref<2x!tpu.dma_semaphore, #tpu.memory_space<semaphore_mem>> -> memref<1x!tpu.dma_semaphore, #tpu.memory_space<semaphore_mem>>
    %dma_wait3A_132 = tpu.memref_squeeze %dma_wait3A_131 : memref<1x!tpu.dma_semaphore, #tpu.memory_space<semaphore_mem>> -> memref<!tpu.dma_semaphore, #tpu.memory_space<semaphore_mem>>
    %dma_wait3A_133 = arith.constant 50 : i32
    %dma_wait3A_134 = arith.constant 0 : i32
    %dma_wait3A_135 = tpu.memref_slice %arg3[%select_n3A, %dma_wait3A_133, %dma_wait3A_134] : memref<4x2098x1024xf32, #tpu.memory_space<hbm>> -> memref<1x32x1024xf32, #tpu.memory_space<hbm>>
    %dma_wait3A_136 = tpu.memref_squeeze %dma_wait3A_135 : memref<1x32x1024xf32, #tpu.memory_space<hbm>> -> memref<32x1024xf32, #tpu.memory_space<hbm>>
    %dma_wait3A_137 = arith.constant 6 : i32
    %dma_wait3A_138 = arith.constant 0 : i32
    %dma_wait3A_139 = tpu.memref_slice %arg4[%dma_wait3A_121, %dma_wait3A_137, %dma_wait3A_138] : memref<2x40x1024xf32, #tpu.memory_space<vmem>> -> memref<1x32x1024xf32, #tpu.memory_space<vmem>>
    %dma_wait3A_140 = tpu.memref_squeeze %dma_wait3A_139 : memref<1x32x1024xf32, #tpu.memory_space<vmem>> -> memref<32x1024xf32, #tpu.memory_space<vmem>>
    tpu.wait_dma2 semaphore(%dma_wait3A_132 : memref<!tpu.dma_semaphore, #tpu.memory_space<semaphore_mem>>) src(%dma_wait3A_140 : memref<32x1024xf32, #tpu.memory_space<vmem>>) dst(%dma_wait3A_136 : memref<32x1024xf32, #tpu.memory_space<hbm>>)
    %add3A_141 = arith.constant 96 : i32
    %add3A_142 = arith.addi %mul3A_20, %add3A_141 : i32
    %sub3A_143 = arith.constant 8 : i32
    %sub3A_144 = arith.subi %add3A_142, %sub3A_143 : i32
    %run_scoped3A_145 = arith.constant 1 : i32
    "tpu.region"() ({
      %run_scoped3A_401 = tpu.sem_alloc : memref<!tpu.dma_semaphore, #tpu.memory_space<semaphore_mem>>
      %dma_start3A_402 = arith.constant 0 : i32
      %dma_start3A_403 = arith.constant 0 : i32
      %dma_start3A_404 = tpu.memref_slice %arg4[%run_scoped3A_145, %dma_start3A_402, %dma_start3A_403] : memref<2x40x1024xf32, #tpu.memory_space<vmem>> -> memref<1x40x1024xf32, #tpu.memory_space<vmem>>
      %dma_start3A_405 = tpu.memref_squeeze %dma_start3A_404 : memref<1x40x1024xf32, #tpu.memory_space<vmem>> -> memref<40x1024xf32, #tpu.memory_space<vmem>>
      %dma_start3A_406 = arith.constant 0 : i32
      %dma_start3A_407 = tpu.memref_slice %arg2[%select_n3A, %sub3A_144, %dma_start3A_406] : memref<4x2048x1024xf32, #tpu.memory_space<hbm>> -> memref<1x40x1024xf32, #tpu.memory_space<hbm>>
      %dma_start3A_408 = tpu.memref_squeeze %dma_start3A_407 : memref<1x40x1024xf32, #tpu.memory_space<hbm>> -> memref<40x1024xf32, #tpu.memory_space<hbm>>
      %dma_start3A_409 = arith.constant 0 : i32
      %dma_start3A_410 = arith.constant 0 : i32
      %dma_start3A_411 = tpu.memref_slice %arg4[%run_scoped3A_145, %dma_start3A_409, %dma_start3A_410] : memref<2x40x1024xf32, #tpu.memory_space<vmem>> -> memref<1x40x1024xf32, #tpu.memory_space<vmem>>
      %dma_start3A_412 = tpu.memref_squeeze %dma_start3A_411 : memref<1x40x1024xf32, #tpu.memory_space<vmem>> -> memref<40x1024xf32, #tpu.memory_space<vmem>>
      %dma_start3A_413 = arith.constant 0 : i32
      %dma_start3A_414 = tpu.memref_slice %arg2[%select_n3A, %sub3A_144, %dma_start3A_413] : memref<4x2048x1024xf32, #tpu.memory_space<hbm>> -> memref<1x40x1024xf32, #tpu.memory_space<hbm>>
      %dma_start3A_415 = tpu.memref_squeeze %dma_start3A_414 : memref<1x40x1024xf32, #tpu.memory_space<hbm>> -> memref<40x1024xf32, #tpu.memory_space<hbm>>
      tpu.enqueue_dma source(%dma_start3A_415 : memref<40x1024xf32, #tpu.memory_space<hbm>>) target(%dma_start3A_412 : memref<40x1024xf32, #tpu.memory_space<vmem>>) target_semaphore(%run_scoped3A_401 : memref<!tpu.dma_semaphore, #tpu.memory_space<semaphore_mem>>)
      %dma_wait3A_416 = arith.constant 0 : i32
      %dma_wait3A_417 = arith.constant 0 : i32
      %dma_wait3A_418 = tpu.memref_slice %arg4[%run_scoped3A_145, %dma_wait3A_416, %dma_wait3A_417] : memref<2x40x1024xf32, #tpu.memory_space<vmem>> -> memref<1x40x1024xf32, #tpu.memory_space<vmem>>
      %dma_wait3A_419 = tpu.memref_squeeze %dma_wait3A_418 : memref<1x40x1024xf32, #tpu.memory_space<vmem>> -> memref<40x1024xf32, #tpu.memory_space<vmem>>
      %dma_wait3A_420 = arith.constant 0 : i32
      %dma_wait3A_421 = tpu.memref_slice %arg2[%select_n3A, %sub3A_144, %dma_wait3A_420] : memref<4x2048x1024xf32, #tpu.memory_space<hbm>> -> memref<1x40x1024xf32, #tpu.memory_space<hbm>>
      %dma_wait3A_422 = tpu.memref_squeeze %dma_wait3A_421 : memref<1x40x1024xf32, #tpu.memory_space<hbm>> -> memref<40x1024xf32, #tpu.memory_space<hbm>>
      %dma_wait3A_423 = arith.constant 0 : i32
      %dma_wait3A_424 = arith.constant 0 : i32
      %dma_wait3A_425 = tpu.memref_slice %arg4[%run_scoped3A_145, %dma_wait3A_423, %dma_wait3A_424] : memref<2x40x1024xf32, #tpu.memory_space<vmem>> -> memref<1x40x1024xf32, #tpu.memory_space<vmem>>
      %dma_wait3A_426 = tpu.memref_squeeze %dma_wait3A_425 : memref<1x40x1024xf32, #tpu.memory_space<vmem>> -> memref<40x1024xf32, #tpu.memory_space<vmem>>
      %dma_wait3A_427 = arith.constant 0 : i32
      %dma_wait3A_428 = tpu.memref_slice %arg2[%select_n3A, %sub3A_144, %dma_wait3A_427] : memref<4x2048x1024xf32, #tpu.memory_space<hbm>> -> memref<1x40x1024xf32, #tpu.memory_space<hbm>>
      %dma_wait3A_429 = tpu.memref_squeeze %dma_wait3A_428 : memref<1x40x1024xf32, #tpu.memory_space<hbm>> -> memref<40x1024xf32, #tpu.memory_space<hbm>>
      tpu.wait_dma2 semaphore(%run_scoped3A_401 : memref<!tpu.dma_semaphore, #tpu.memory_space<semaphore_mem>>) src(%dma_wait3A_429 : memref<40x1024xf32, #tpu.memory_space<hbm>>) dst(%dma_wait3A_426 : memref<40x1024xf32, #tpu.memory_space<vmem>>)
      tpu.yield
    }) : () -> ()
    %add3A_146 = arith.constant 48 : i32
    %add3A_147 = arith.addi %add3A_146, %mul3A_20 : i32
    %add3A_148 = arith.constant 96 : i32
    %add3A_149 = arith.addi %add3A_147, %add3A_148 : i32
    %dma_start3A_150 = arith.constant 1 : i32
    %dma_start3A_151 = arith.constant 1 : i32
    %dma_start3A_152 = arith.constant 6 : i32
    %dma_start3A_153 = arith.constant 0 : i32
    %dma_start3A_154 = tpu.memref_slice %arg4[%dma_start3A_150, %dma_start3A_152, %dma_start3A_153] : memref<2x40x1024xf32, #tpu.memory_space<vmem>> -> memref<1x32x1024xf32, #tpu.memory_space<vmem>>
    %dma_start3A_155 = tpu.memref_squeeze %dma_start3A_154 : memref<1x32x1024xf32, #tpu.memory_space<vmem>> -> memref<32x1024xf32, #tpu.memory_space<vmem>>
    %dma_start3A_156 = arith.constant 0 : i32
    %dma_start3A_157 = tpu.memref_slice %arg3[%select_n3A, %add3A_149, %dma_start3A_156] : memref<4x2098x1024xf32, #tpu.memory_space<hbm>> -> memref<1x32x1024xf32, #tpu.memory_space<hbm>>
    %dma_start3A_158 = tpu.memref_squeeze %dma_start3A_157 : memref<1x32x1024xf32, #tpu.memory_space<hbm>> -> memref<32x1024xf32, #tpu.memory_space<hbm>>
    %dma_start3A_159 = tpu.memref_slice %arg5[%dma_start3A_151] : memref<2x!tpu.dma_semaphore, #tpu.memory_space<semaphore_mem>> -> memref<1x!tpu.dma_semaphore, #tpu.memory_space<semaphore_mem>>
    %dma_start3A_160 = tpu.memref_squeeze %dma_start3A_159 : memref<1x!tpu.dma_semaphore, #tpu.memory_space<semaphore_mem>> -> memref<!tpu.dma_semaphore, #tpu.memory_space<semaphore_mem>>
    %dma_start3A_161 = arith.constant 0 : i32
    %dma_start3A_162 = tpu.memref_slice %arg3[%select_n3A, %add3A_149, %dma_start3A_161] : memref<4x2098x1024xf32, #tpu.memory_space<hbm>> -> memref<1x32x1024xf32, #tpu.memory_space<hbm>>
    %dma_start3A_163 = tpu.memref_squeeze %dma_start3A_162 : memref<1x32x1024xf32, #tpu.memory_space<hbm>> -> memref<32x1024xf32, #tpu.memory_space<hbm>>
    %dma_start3A_164 = arith.constant 6 : i32
    %dma_start3A_165 = arith.constant 0 : i32
    %dma_start3A_166 = tpu.memref_slice %arg4[%dma_start3A_150, %dma_start3A_164, %dma_start3A_165] : memref<2x40x1024xf32, #tpu.memory_space<vmem>> -> memref<1x32x1024xf32, #tpu.memory_space<vmem>>
    %dma_start3A_167 = tpu.memref_squeeze %dma_start3A_166 : memref<1x32x1024xf32, #tpu.memory_space<vmem>> -> memref<32x1024xf32, #tpu.memory_space<vmem>>
    tpu.enqueue_dma source(%dma_start3A_167 : memref<32x1024xf32, #tpu.memory_space<vmem>>) target(%dma_start3A_163 : memref<32x1024xf32, #tpu.memory_space<hbm>>) target_semaphore(%dma_start3A_160 : memref<!tpu.dma_semaphore, #tpu.memory_space<semaphore_mem>>)
    %dma_wait3A_168 = arith.constant 0 : i32
    %dma_wait3A_169 = arith.constant 0 : i32
    %dma_wait3A_170 = arith.constant 6 : i32
    %dma_wait3A_171 = arith.constant 0 : i32
    %dma_wait3A_172 = tpu.memref_slice %arg4[%dma_wait3A_168, %dma_wait3A_170, %dma_wait3A_171] : memref<2x40x1024xf32, #tpu.memory_space<vmem>> -> memref<1x32x1024xf32, #tpu.memory_space<vmem>>
    %dma_wait3A_173 = tpu.memref_squeeze %dma_wait3A_172 : memref<1x32x1024xf32, #tpu.memory_space<vmem>> -> memref<32x1024xf32, #tpu.memory_space<vmem>>
    %dma_wait3A_174 = arith.constant 50 : i32
    %dma_wait3A_175 = arith.constant 0 : i32
    %dma_wait3A_176 = tpu.memref_slice %arg3[%select_n3A, %dma_wait3A_174, %dma_wait3A_175] : memref<4x2098x1024xf32, #tpu.memory_space<hbm>> -> memref<1x32x1024xf32, #tpu.memory_space<hbm>>
    %dma_wait3A_177 = tpu.memref_squeeze %dma_wait3A_176 : memref<1x32x1024xf32, #tpu.memory_space<hbm>> -> memref<32x1024xf32, #tpu.memory_space<hbm>>
    %dma_wait3A_178 = tpu.memref_slice %arg5[%dma_wait3A_169] : memref<2x!tpu.dma_semaphore, #tpu.memory_space<semaphore_mem>> -> memref<1x!tpu.dma_semaphore, #tpu.memory_space<semaphore_mem>>
    %dma_wait3A_179 = tpu.memref_squeeze %dma_wait3A_178 : memref<1x!tpu.dma_semaphore, #tpu.memory_space<semaphore_mem>> -> memref<!tpu.dma_semaphore, #tpu.memory_space<semaphore_mem>>
    %dma_wait3A_180 = arith.constant 50 : i32
    %dma_wait3A_181 = arith.constant 0 : i32
    %dma_wait3A_182 = tpu.memref_slice %arg3[%select_n3A, %dma_wait3A_180, %dma_wait3A_181] : memref<4x2098x1024xf32, #tpu.memory_space<hbm>> -> memref<1x32x1024xf32, #tpu.memory_space<hbm>>
    %dma_wait3A_183 = tpu.memref_squeeze %dma_wait3A_182 : memref<1x32x1024xf32, #tpu.memory_space<hbm>> -> memref<32x1024xf32, #tpu.memory_space<hbm>>
    %dma_wait3A_184 = arith.constant 6 : i32
    %dma_wait3A_185 = arith.constant 0 : i32
    %dma_wait3A_186 = tpu.memref_slice %arg4[%dma_wait3A_168, %dma_wait3A_184, %dma_wait3A_185] : memref<2x40x1024xf32, #tpu.memory_space<vmem>> -> memref<1x32x1024xf32, #tpu.memory_space<vmem>>
    %dma_wait3A_187 = tpu.memref_squeeze %dma_wait3A_186 : memref<1x32x1024xf32, #tpu.memory_space<vmem>> -> memref<32x1024xf32, #tpu.memory_space<vmem>>
    tpu.wait_dma2 semaphore(%dma_wait3A_179 : memref<!tpu.dma_semaphore, #tpu.memory_space<semaphore_mem>>) src(%dma_wait3A_187 : memref<32x1024xf32, #tpu.memory_space<vmem>>) dst(%dma_wait3A_183 : memref<32x1024xf32, #tpu.memory_space<hbm>>)
    %add3A_188 = arith.constant 128 : i32
    %add3A_189 = arith.addi %mul3A_20, %add3A_188 : i32
    %sub3A_190 = arith.constant 8 : i32
    %sub3A_191 = arith.subi %add3A_189, %sub3A_190 : i32
    %run_scoped3A_192 = arith.constant 0 : i32
    "tpu.region"() ({
      %run_scoped3A_401 = tpu.sem_alloc : memref<!tpu.dma_semaphore, #tpu.memory_space<semaphore_mem>>
      %dma_start3A_402 = arith.constant 0 : i32
      %dma_start3A_403 = arith.constant 0 : i32
      %dma_start3A_404 = tpu.memref_slice %arg4[%run_scoped3A_192, %dma_start3A_402, %dma_start3A_403] : memref<2x40x1024xf32, #tpu.memory_space<vmem>> -> memref<1x40x1024xf32, #tpu.memory_space<vmem>>
      %dma_start3A_405 = tpu.memref_squeeze %dma_start3A_404 : memref<1x40x1024xf32, #tpu.memory_space<vmem>> -> memref<40x1024xf32, #tpu.memory_space<vmem>>
      %dma_start3A_406 = arith.constant 0 : i32
      %dma_start3A_407 = tpu.memref_slice %arg2[%select_n3A, %sub3A_191, %dma_start3A_406] : memref<4x2048x1024xf32, #tpu.memory_space<hbm>> -> memref<1x40x1024xf32, #tpu.memory_space<hbm>>
      %dma_start3A_408 = tpu.memref_squeeze %dma_start3A_407 : memref<1x40x1024xf32, #tpu.memory_space<hbm>> -> memref<40x1024xf32, #tpu.memory_space<hbm>>
      %dma_start3A_409 = arith.constant 0 : i32
      %dma_start3A_410 = arith.constant 0 : i32
      %dma_start3A_411 = tpu.memref_slice %arg4[%run_scoped3A_192, %dma_start3A_409, %dma_start3A_410] : memref<2x40x1024xf32, #tpu.memory_space<vmem>> -> memref<1x40x1024xf32, #tpu.memory_space<vmem>>
      %dma_start3A_412 = tpu.memref_squeeze %dma_start3A_411 : memref<1x40x1024xf32, #tpu.memory_space<vmem>> -> memref<40x1024xf32, #tpu.memory_space<vmem>>
      %dma_start3A_413 = arith.constant 0 : i32
      %dma_start3A_414 = tpu.memref_slice %arg2[%select_n3A, %sub3A_191, %dma_start3A_413] : memref<4x2048x1024xf32, #tpu.memory_space<hbm>> -> memref<1x40x1024xf32, #tpu.memory_space<hbm>>
      %dma_start3A_415 = tpu.memref_squeeze %dma_start3A_414 : memref<1x40x1024xf32, #tpu.memory_space<hbm>> -> memref<40x1024xf32, #tpu.memory_space<hbm>>
      tpu.enqueue_dma source(%dma_start3A_415 : memref<40x1024xf32, #tpu.memory_space<hbm>>) target(%dma_start3A_412 : memref<40x1024xf32, #tpu.memory_space<vmem>>) target_semaphore(%run_scoped3A_401 : memref<!tpu.dma_semaphore, #tpu.memory_space<semaphore_mem>>)
      %dma_wait3A_416 = arith.constant 0 : i32
      %dma_wait3A_417 = arith.constant 0 : i32
      %dma_wait3A_418 = tpu.memref_slice %arg4[%run_scoped3A_192, %dma_wait3A_416, %dma_wait3A_417] : memref<2x40x1024xf32, #tpu.memory_space<vmem>> -> memref<1x40x1024xf32, #tpu.memory_space<vmem>>
      %dma_wait3A_419 = tpu.memref_squeeze %dma_wait3A_418 : memref<1x40x1024xf32, #tpu.memory_space<vmem>> -> memref<40x1024xf32, #tpu.memory_space<vmem>>
      %dma_wait3A_420 = arith.constant 0 : i32
      %dma_wait3A_421 = tpu.memref_slice %arg2[%select_n3A, %sub3A_191, %dma_wait3A_420] : memref<4x2048x1024xf32, #tpu.memory_space<hbm>> -> memref<1x40x1024xf32, #tpu.memory_space<hbm>>
      %dma_wait3A_422 = tpu.memref_squeeze %dma_wait3A_421 : memref<1x40x1024xf32, #tpu.memory_space<hbm>> -> memref<40x1024xf32, #tpu.memory_space<hbm>>
      %dma_wait3A_423 = arith.constant 0 : i32
      %dma_wait3A_424 = arith.constant 0 : i32
      %dma_wait3A_425 = tpu.memref_slice %arg4[%run_scoped3A_192, %dma_wait3A_423, %dma_wait3A_424] : memref<2x40x1024xf32, #tpu.memory_space<vmem>> -> memref<1x40x1024xf32, #tpu.memory_space<vmem>>
      %dma_wait3A_426 = tpu.memref_squeeze %dma_wait3A_425 : memref<1x40x1024xf32, #tpu.memory_space<vmem>> -> memref<40x1024xf32, #tpu.memory_space<vmem>>
      %dma_wait3A_427 = arith.constant 0 : i32
      %dma_wait3A_428 = tpu.memref_slice %arg2[%select_n3A, %sub3A_191, %dma_wait3A_427] : memref<4x2048x1024xf32, #tpu.memory_space<hbm>> -> memref<1x40x1024xf32, #tpu.memory_space<hbm>>
      %dma_wait3A_429 = tpu.memref_squeeze %dma_wait3A_428 : memref<1x40x1024xf32, #tpu.memory_space<hbm>> -> memref<40x1024xf32, #tpu.memory_space<hbm>>
      tpu.wait_dma2 semaphore(%run_scoped3A_401 : memref<!tpu.dma_semaphore, #tpu.memory_space<semaphore_mem>>) src(%dma_wait3A_429 : memref<40x1024xf32, #tpu.memory_space<hbm>>) dst(%dma_wait3A_426 : memref<40x1024xf32, #tpu.memory_space<vmem>>)
      tpu.yield
    }) : () -> ()
    %add3A_193 = arith.constant 48 : i32
    %add3A_194 = arith.addi %add3A_193, %mul3A_20 : i32
    %add3A_195 = arith.constant 128 : i32
    %add3A_196 = arith.addi %add3A_194, %add3A_195 : i32
    %dma_start3A_197 = arith.constant 0 : i32
    %dma_start3A_198 = arith.constant 0 : i32
    %dma_start3A_199 = arith.constant 6 : i32
    %dma_start3A_200 = arith.constant 0 : i32
    %dma_start3A_201 = tpu.memref_slice %arg4[%dma_start3A_197, %dma_start3A_199, %dma_start3A_200] : memref<2x40x1024xf32, #tpu.memory_space<vmem>> -> memref<1x32x1024xf32, #tpu.memory_space<vmem>>
    %dma_start3A_202 = tpu.memref_squeeze %dma_start3A_201 : memref<1x32x1024xf32, #tpu.memory_space<vmem>> -> memref<32x1024xf32, #tpu.memory_space<vmem>>
    %dma_start3A_203 = arith.constant 0 : i32
    %dma_start3A_204 = tpu.memref_slice %arg3[%select_n3A, %add3A_196, %dma_start3A_203] : memref<4x2098x1024xf32, #tpu.memory_space<hbm>> -> memref<1x32x1024xf32, #tpu.memory_space<hbm>>
    %dma_start3A_205 = tpu.memref_squeeze %dma_start3A_204 : memref<1x32x1024xf32, #tpu.memory_space<hbm>> -> memref<32x1024xf32, #tpu.memory_space<hbm>>
    %dma_start3A_206 = tpu.memref_slice %arg5[%dma_start3A_198] : memref<2x!tpu.dma_semaphore, #tpu.memory_space<semaphore_mem>> -> memref<1x!tpu.dma_semaphore, #tpu.memory_space<semaphore_mem>>
    %dma_start3A_207 = tpu.memref_squeeze %dma_start3A_206 : memref<1x!tpu.dma_semaphore, #tpu.memory_space<semaphore_mem>> -> memref<!tpu.dma_semaphore, #tpu.memory_space<semaphore_mem>>
    %dma_start3A_208 = arith.constant 0 : i32
    %dma_start3A_209 = tpu.memref_slice %arg3[%select_n3A, %add3A_196, %dma_start3A_208] : memref<4x2098x1024xf32, #tpu.memory_space<hbm>> -> memref<1x32x1024xf32, #tpu.memory_space<hbm>>
    %dma_start3A_210 = tpu.memref_squeeze %dma_start3A_209 : memref<1x32x1024xf32, #tpu.memory_space<hbm>> -> memref<32x1024xf32, #tpu.memory_space<hbm>>
    %dma_start3A_211 = arith.constant 6 : i32
    %dma_start3A_212 = arith.constant 0 : i32
    %dma_start3A_213 = tpu.memref_slice %arg4[%dma_start3A_197, %dma_start3A_211, %dma_start3A_212] : memref<2x40x1024xf32, #tpu.memory_space<vmem>> -> memref<1x32x1024xf32, #tpu.memory_space<vmem>>
    %dma_start3A_214 = tpu.memref_squeeze %dma_start3A_213 : memref<1x32x1024xf32, #tpu.memory_space<vmem>> -> memref<32x1024xf32, #tpu.memory_space<vmem>>
    tpu.enqueue_dma source(%dma_start3A_214 : memref<32x1024xf32, #tpu.memory_space<vmem>>) target(%dma_start3A_210 : memref<32x1024xf32, #tpu.memory_space<hbm>>) target_semaphore(%dma_start3A_207 : memref<!tpu.dma_semaphore, #tpu.memory_space<semaphore_mem>>)
    %dma_wait3A_215 = arith.constant 1 : i32
    %dma_wait3A_216 = arith.constant 1 : i32
    %dma_wait3A_217 = arith.constant 6 : i32
    %dma_wait3A_218 = arith.constant 0 : i32
    %dma_wait3A_219 = tpu.memref_slice %arg4[%dma_wait3A_215, %dma_wait3A_217, %dma_wait3A_218] : memref<2x40x1024xf32, #tpu.memory_space<vmem>> -> memref<1x32x1024xf32, #tpu.memory_space<vmem>>
    %dma_wait3A_220 = tpu.memref_squeeze %dma_wait3A_219 : memref<1x32x1024xf32, #tpu.memory_space<vmem>> -> memref<32x1024xf32, #tpu.memory_space<vmem>>
    %dma_wait3A_221 = arith.constant 50 : i32
    %dma_wait3A_222 = arith.constant 0 : i32
    %dma_wait3A_223 = tpu.memref_slice %arg3[%select_n3A, %dma_wait3A_221, %dma_wait3A_222] : memref<4x2098x1024xf32, #tpu.memory_space<hbm>> -> memref<1x32x1024xf32, #tpu.memory_space<hbm>>
    %dma_wait3A_224 = tpu.memref_squeeze %dma_wait3A_223 : memref<1x32x1024xf32, #tpu.memory_space<hbm>> -> memref<32x1024xf32, #tpu.memory_space<hbm>>
    %dma_wait3A_225 = tpu.memref_slice %arg5[%dma_wait3A_216] : memref<2x!tpu.dma_semaphore, #tpu.memory_space<semaphore_mem>> -> memref<1x!tpu.dma_semaphore, #tpu.memory_space<semaphore_mem>>
    %dma_wait3A_226 = tpu.memref_squeeze %dma_wait3A_225 : memref<1x!tpu.dma_semaphore, #tpu.memory_space<semaphore_mem>> -> memref<!tpu.dma_semaphore, #tpu.memory_space<semaphore_mem>>
    %dma_wait3A_227 = arith.constant 50 : i32
    %dma_wait3A_228 = arith.constant 0 : i32
    %dma_wait3A_229 = tpu.memref_slice %arg3[%select_n3A, %dma_wait3A_227, %dma_wait3A_228] : memref<4x2098x1024xf32, #tpu.memory_space<hbm>> -> memref<1x32x1024xf32, #tpu.memory_space<hbm>>
    %dma_wait3A_230 = tpu.memref_squeeze %dma_wait3A_229 : memref<1x32x1024xf32, #tpu.memory_space<hbm>> -> memref<32x1024xf32, #tpu.memory_space<hbm>>
    %dma_wait3A_231 = arith.constant 6 : i32
    %dma_wait3A_232 = arith.constant 0 : i32
    %dma_wait3A_233 = tpu.memref_slice %arg4[%dma_wait3A_215, %dma_wait3A_231, %dma_wait3A_232] : memref<2x40x1024xf32, #tpu.memory_space<vmem>> -> memref<1x32x1024xf32, #tpu.memory_space<vmem>>
    %dma_wait3A_234 = tpu.memref_squeeze %dma_wait3A_233 : memref<1x32x1024xf32, #tpu.memory_space<vmem>> -> memref<32x1024xf32, #tpu.memory_space<vmem>>
    tpu.wait_dma2 semaphore(%dma_wait3A_226 : memref<!tpu.dma_semaphore, #tpu.memory_space<semaphore_mem>>) src(%dma_wait3A_234 : memref<32x1024xf32, #tpu.memory_space<vmem>>) dst(%dma_wait3A_230 : memref<32x1024xf32, #tpu.memory_space<hbm>>)
    %add3A_235 = arith.constant 160 : i32
    %add3A_236 = arith.addi %mul3A_20, %add3A_235 : i32
    %sub3A_237 = arith.constant 8 : i32
    %sub3A_238 = arith.subi %add3A_236, %sub3A_237 : i32
    %run_scoped3A_239 = arith.constant 1 : i32
    "tpu.region"() ({
      %run_scoped3A_401 = tpu.sem_alloc : memref<!tpu.dma_semaphore, #tpu.memory_space<semaphore_mem>>
      %dma_start3A_402 = arith.constant 0 : i32
      %dma_start3A_403 = arith.constant 0 : i32
      %dma_start3A_404 = tpu.memref_slice %arg4[%run_scoped3A_239, %dma_start3A_402, %dma_start3A_403] : memref<2x40x1024xf32, #tpu.memory_space<vmem>> -> memref<1x40x1024xf32, #tpu.memory_space<vmem>>
      %dma_start3A_405 = tpu.memref_squeeze %dma_start3A_404 : memref<1x40x1024xf32, #tpu.memory_space<vmem>> -> memref<40x1024xf32, #tpu.memory_space<vmem>>
      %dma_start3A_406 = arith.constant 0 : i32
      %dma_start3A_407 = tpu.memref_slice %arg2[%select_n3A, %sub3A_238, %dma_start3A_406] : memref<4x2048x1024xf32, #tpu.memory_space<hbm>> -> memref<1x40x1024xf32, #tpu.memory_space<hbm>>
      %dma_start3A_408 = tpu.memref_squeeze %dma_start3A_407 : memref<1x40x1024xf32, #tpu.memory_space<hbm>> -> memref<40x1024xf32, #tpu.memory_space<hbm>>
      %dma_start3A_409 = arith.constant 0 : i32
      %dma_start3A_410 = arith.constant 0 : i32
      %dma_start3A_411 = tpu.memref_slice %arg4[%run_scoped3A_239, %dma_start3A_409, %dma_start3A_410] : memref<2x40x1024xf32, #tpu.memory_space<vmem>> -> memref<1x40x1024xf32, #tpu.memory_space<vmem>>
      %dma_start3A_412 = tpu.memref_squeeze %dma_start3A_411 : memref<1x40x1024xf32, #tpu.memory_space<vmem>> -> memref<40x1024xf32, #tpu.memory_space<vmem>>
      %dma_start3A_413 = arith.constant 0 : i32
      %dma_start3A_414 = tpu.memref_slice %arg2[%select_n3A, %sub3A_238, %dma_start3A_413] : memref<4x2048x1024xf32, #tpu.memory_space<hbm>> -> memref<1x40x1024xf32, #tpu.memory_space<hbm>>
      %dma_start3A_415 = tpu.memref_squeeze %dma_start3A_414 : memref<1x40x1024xf32, #tpu.memory_space<hbm>> -> memref<40x1024xf32, #tpu.memory_space<hbm>>
      tpu.enqueue_dma source(%dma_start3A_415 : memref<40x1024xf32, #tpu.memory_space<hbm>>) target(%dma_start3A_412 : memref<40x1024xf32, #tpu.memory_space<vmem>>) target_semaphore(%run_scoped3A_401 : memref<!tpu.dma_semaphore, #tpu.memory_space<semaphore_mem>>)
      %dma_wait3A_416 = arith.constant 0 : i32
      %dma_wait3A_417 = arith.constant 0 : i32
      %dma_wait3A_418 = tpu.memref_slice %arg4[%run_scoped3A_239, %dma_wait3A_416, %dma_wait3A_417] : memref<2x40x1024xf32, #tpu.memory_space<vmem>> -> memref<1x40x1024xf32, #tpu.memory_space<vmem>>
      %dma_wait3A_419 = tpu.memref_squeeze %dma_wait3A_418 : memref<1x40x1024xf32, #tpu.memory_space<vmem>> -> memref<40x1024xf32, #tpu.memory_space<vmem>>
      %dma_wait3A_420 = arith.constant 0 : i32
      %dma_wait3A_421 = tpu.memref_slice %arg2[%select_n3A, %sub3A_238, %dma_wait3A_420] : memref<4x2048x1024xf32, #tpu.memory_space<hbm>> -> memref<1x40x1024xf32, #tpu.memory_space<hbm>>
      %dma_wait3A_422 = tpu.memref_squeeze %dma_wait3A_421 : memref<1x40x1024xf32, #tpu.memory_space<hbm>> -> memref<40x1024xf32, #tpu.memory_space<hbm>>
      %dma_wait3A_423 = arith.constant 0 : i32
      %dma_wait3A_424 = arith.constant 0 : i32
      %dma_wait3A_425 = tpu.memref_slice %arg4[%run_scoped3A_239, %dma_wait3A_423, %dma_wait3A_424] : memref<2x40x1024xf32, #tpu.memory_space<vmem>> -> memref<1x40x1024xf32, #tpu.memory_space<vmem>>
      %dma_wait3A_426 = tpu.memref_squeeze %dma_wait3A_425 : memref<1x40x1024xf32, #tpu.memory_space<vmem>> -> memref<40x1024xf32, #tpu.memory_space<vmem>>
      %dma_wait3A_427 = arith.constant 0 : i32
      %dma_wait3A_428 = tpu.memref_slice %arg2[%select_n3A, %sub3A_238, %dma_wait3A_427] : memref<4x2048x1024xf32, #tpu.memory_space<hbm>> -> memref<1x40x1024xf32, #tpu.memory_space<hbm>>
      %dma_wait3A_429 = tpu.memref_squeeze %dma_wait3A_428 : memref<1x40x1024xf32, #tpu.memory_space<hbm>> -> memref<40x1024xf32, #tpu.memory_space<hbm>>
      tpu.wait_dma2 semaphore(%run_scoped3A_401 : memref<!tpu.dma_semaphore, #tpu.memory_space<semaphore_mem>>) src(%dma_wait3A_429 : memref<40x1024xf32, #tpu.memory_space<hbm>>) dst(%dma_wait3A_426 : memref<40x1024xf32, #tpu.memory_space<vmem>>)
      tpu.yield
    }) : () -> ()
    %add3A_240 = arith.constant 48 : i32
    %add3A_241 = arith.addi %add3A_240, %mul3A_20 : i32
    %add3A_242 = arith.constant 160 : i32
    %add3A_243 = arith.addi %add3A_241, %add3A_242 : i32
    %dma_start3A_244 = arith.constant 1 : i32
    %dma_start3A_245 = arith.constant 1 : i32
    %dma_start3A_246 = arith.constant 6 : i32
    %dma_start3A_247 = arith.constant 0 : i32
    %dma_start3A_248 = tpu.memref_slice %arg4[%dma_start3A_244, %dma_start3A_246, %dma_start3A_247] : memref<2x40x1024xf32, #tpu.memory_space<vmem>> -> memref<1x32x1024xf32, #tpu.memory_space<vmem>>
    %dma_start3A_249 = tpu.memref_squeeze %dma_start3A_248 : memref<1x32x1024xf32, #tpu.memory_space<vmem>> -> memref<32x1024xf32, #tpu.memory_space<vmem>>
    %dma_start3A_250 = arith.constant 0 : i32
    %dma_start3A_251 = tpu.memref_slice %arg3[%select_n3A, %add3A_243, %dma_start3A_250] : memref<4x2098x1024xf32, #tpu.memory_space<hbm>> -> memref<1x32x1024xf32, #tpu.memory_space<hbm>>
    %dma_start3A_252 = tpu.memref_squeeze %dma_start3A_251 : memref<1x32x1024xf32, #tpu.memory_space<hbm>> -> memref<32x1024xf32, #tpu.memory_space<hbm>>
    %dma_start3A_253 = tpu.memref_slice %arg5[%dma_start3A_245] : memref<2x!tpu.dma_semaphore, #tpu.memory_space<semaphore_mem>> -> memref<1x!tpu.dma_semaphore, #tpu.memory_space<semaphore_mem>>
    %dma_start3A_254 = tpu.memref_squeeze %dma_start3A_253 : memref<1x!tpu.dma_semaphore, #tpu.memory_space<semaphore_mem>> -> memref<!tpu.dma_semaphore, #tpu.memory_space<semaphore_mem>>
    %dma_start3A_255 = arith.constant 0 : i32
    %dma_start3A_256 = tpu.memref_slice %arg3[%select_n3A, %add3A_243, %dma_start3A_255] : memref<4x2098x1024xf32, #tpu.memory_space<hbm>> -> memref<1x32x1024xf32, #tpu.memory_space<hbm>>
    %dma_start3A_257 = tpu.memref_squeeze %dma_start3A_256 : memref<1x32x1024xf32, #tpu.memory_space<hbm>> -> memref<32x1024xf32, #tpu.memory_space<hbm>>
    %dma_start3A_258 = arith.constant 6 : i32
    %dma_start3A_259 = arith.constant 0 : i32
    %dma_start3A_260 = tpu.memref_slice %arg4[%dma_start3A_244, %dma_start3A_258, %dma_start3A_259] : memref<2x40x1024xf32, #tpu.memory_space<vmem>> -> memref<1x32x1024xf32, #tpu.memory_space<vmem>>
    %dma_start3A_261 = tpu.memref_squeeze %dma_start3A_260 : memref<1x32x1024xf32, #tpu.memory_space<vmem>> -> memref<32x1024xf32, #tpu.memory_space<vmem>>
    tpu.enqueue_dma source(%dma_start3A_261 : memref<32x1024xf32, #tpu.memory_space<vmem>>) target(%dma_start3A_257 : memref<32x1024xf32, #tpu.memory_space<hbm>>) target_semaphore(%dma_start3A_254 : memref<!tpu.dma_semaphore, #tpu.memory_space<semaphore_mem>>)
    %dma_wait3A_262 = arith.constant 0 : i32
    %dma_wait3A_263 = arith.constant 0 : i32
    %dma_wait3A_264 = arith.constant 6 : i32
    %dma_wait3A_265 = arith.constant 0 : i32
    %dma_wait3A_266 = tpu.memref_slice %arg4[%dma_wait3A_262, %dma_wait3A_264, %dma_wait3A_265] : memref<2x40x1024xf32, #tpu.memory_space<vmem>> -> memref<1x32x1024xf32, #tpu.memory_space<vmem>>
    %dma_wait3A_267 = tpu.memref_squeeze %dma_wait3A_266 : memref<1x32x1024xf32, #tpu.memory_space<vmem>> -> memref<32x1024xf32, #tpu.memory_space<vmem>>
    %dma_wait3A_268 = arith.constant 50 : i32
    %dma_wait3A_269 = arith.constant 0 : i32
    %dma_wait3A_270 = tpu.memref_slice %arg3[%select_n3A, %dma_wait3A_268, %dma_wait3A_269] : memref<4x2098x1024xf32, #tpu.memory_space<hbm>> -> memref<1x32x1024xf32, #tpu.memory_space<hbm>>
    %dma_wait3A_271 = tpu.memref_squeeze %dma_wait3A_270 : memref<1x32x1024xf32, #tpu.memory_space<hbm>> -> memref<32x1024xf32, #tpu.memory_space<hbm>>
    %dma_wait3A_272 = tpu.memref_slice %arg5[%dma_wait3A_263] : memref<2x!tpu.dma_semaphore, #tpu.memory_space<semaphore_mem>> -> memref<1x!tpu.dma_semaphore, #tpu.memory_space<semaphore_mem>>
    %dma_wait3A_273 = tpu.memref_squeeze %dma_wait3A_272 : memref<1x!tpu.dma_semaphore, #tpu.memory_space<semaphore_mem>> -> memref<!tpu.dma_semaphore, #tpu.memory_space<semaphore_mem>>
    %dma_wait3A_274 = arith.constant 50 : i32
    %dma_wait3A_275 = arith.constant 0 : i32
    %dma_wait3A_276 = tpu.memref_slice %arg3[%select_n3A, %dma_wait3A_274, %dma_wait3A_275] : memref<4x2098x1024xf32, #tpu.memory_space<hbm>> -> memref<1x32x1024xf32, #tpu.memory_space<hbm>>
    %dma_wait3A_277 = tpu.memref_squeeze %dma_wait3A_276 : memref<1x32x1024xf32, #tpu.memory_space<hbm>> -> memref<32x1024xf32, #tpu.memory_space<hbm>>
    %dma_wait3A_278 = arith.constant 6 : i32
    %dma_wait3A_279 = arith.constant 0 : i32
    %dma_wait3A_280 = tpu.memref_slice %arg4[%dma_wait3A_262, %dma_wait3A_278, %dma_wait3A_279] : memref<2x40x1024xf32, #tpu.memory_space<vmem>> -> memref<1x32x1024xf32, #tpu.memory_space<vmem>>
    %dma_wait3A_281 = tpu.memref_squeeze %dma_wait3A_280 : memref<1x32x1024xf32, #tpu.memory_space<vmem>> -> memref<32x1024xf32, #tpu.memory_space<vmem>>
    tpu.wait_dma2 semaphore(%dma_wait3A_273 : memref<!tpu.dma_semaphore, #tpu.memory_space<semaphore_mem>>) src(%dma_wait3A_281 : memref<32x1024xf32, #tpu.memory_space<vmem>>) dst(%dma_wait3A_277 : memref<32x1024xf32, #tpu.memory_space<hbm>>)
    %add3A_282 = arith.constant 192 : i32
    %add3A_283 = arith.addi %mul3A_20, %add3A_282 : i32
    %sub3A_284 = arith.constant 8 : i32
    %sub3A_285 = arith.subi %add3A_283, %sub3A_284 : i32
    %run_scoped3A_286 = arith.constant 0 : i32
    "tpu.region"() ({
      %run_scoped3A_401 = tpu.sem_alloc : memref<!tpu.dma_semaphore, #tpu.memory_space<semaphore_mem>>
      %dma_start3A_402 = arith.constant 0 : i32
      %dma_start3A_403 = arith.constant 0 : i32
      %dma_start3A_404 = tpu.memref_slice %arg4[%run_scoped3A_286, %dma_start3A_402, %dma_start3A_403] : memref<2x40x1024xf32, #tpu.memory_space<vmem>> -> memref<1x40x1024xf32, #tpu.memory_space<vmem>>
      %dma_start3A_405 = tpu.memref_squeeze %dma_start3A_404 : memref<1x40x1024xf32, #tpu.memory_space<vmem>> -> memref<40x1024xf32, #tpu.memory_space<vmem>>
      %dma_start3A_406 = arith.constant 0 : i32
      %dma_start3A_407 = tpu.memref_slice %arg2[%select_n3A, %sub3A_285, %dma_start3A_406] : memref<4x2048x1024xf32, #tpu.memory_space<hbm>> -> memref<1x40x1024xf32, #tpu.memory_space<hbm>>
      %dma_start3A_408 = tpu.memref_squeeze %dma_start3A_407 : memref<1x40x1024xf32, #tpu.memory_space<hbm>> -> memref<40x1024xf32, #tpu.memory_space<hbm>>
      %dma_start3A_409 = arith.constant 0 : i32
      %dma_start3A_410 = arith.constant 0 : i32
      %dma_start3A_411 = tpu.memref_slice %arg4[%run_scoped3A_286, %dma_start3A_409, %dma_start3A_410] : memref<2x40x1024xf32, #tpu.memory_space<vmem>> -> memref<1x40x1024xf32, #tpu.memory_space<vmem>>
      %dma_start3A_412 = tpu.memref_squeeze %dma_start3A_411 : memref<1x40x1024xf32, #tpu.memory_space<vmem>> -> memref<40x1024xf32, #tpu.memory_space<vmem>>
      %dma_start3A_413 = arith.constant 0 : i32
      %dma_start3A_414 = tpu.memref_slice %arg2[%select_n3A, %sub3A_285, %dma_start3A_413] : memref<4x2048x1024xf32, #tpu.memory_space<hbm>> -> memref<1x40x1024xf32, #tpu.memory_space<hbm>>
      %dma_start3A_415 = tpu.memref_squeeze %dma_start3A_414 : memref<1x40x1024xf32, #tpu.memory_space<hbm>> -> memref<40x1024xf32, #tpu.memory_space<hbm>>
      tpu.enqueue_dma source(%dma_start3A_415 : memref<40x1024xf32, #tpu.memory_space<hbm>>) target(%dma_start3A_412 : memref<40x1024xf32, #tpu.memory_space<vmem>>) target_semaphore(%run_scoped3A_401 : memref<!tpu.dma_semaphore, #tpu.memory_space<semaphore_mem>>)
      %dma_wait3A_416 = arith.constant 0 : i32
      %dma_wait3A_417 = arith.constant 0 : i32
      %dma_wait3A_418 = tpu.memref_slice %arg4[%run_scoped3A_286, %dma_wait3A_416, %dma_wait3A_417] : memref<2x40x1024xf32, #tpu.memory_space<vmem>> -> memref<1x40x1024xf32, #tpu.memory_space<vmem>>
      %dma_wait3A_419 = tpu.memref_squeeze %dma_wait3A_418 : memref<1x40x1024xf32, #tpu.memory_space<vmem>> -> memref<40x1024xf32, #tpu.memory_space<vmem>>
      %dma_wait3A_420 = arith.constant 0 : i32
      %dma_wait3A_421 = tpu.memref_slice %arg2[%select_n3A, %sub3A_285, %dma_wait3A_420] : memref<4x2048x1024xf32, #tpu.memory_space<hbm>> -> memref<1x40x1024xf32, #tpu.memory_space<hbm>>
      %dma_wait3A_422 = tpu.memref_squeeze %dma_wait3A_421 : memref<1x40x1024xf32, #tpu.memory_space<hbm>> -> memref<40x1024xf32, #tpu.memory_space<hbm>>
      %dma_wait3A_423 = arith.constant 0 : i32
      %dma_wait3A_424 = arith.constant 0 : i32
      %dma_wait3A_425 = tpu.memref_slice %arg4[%run_scoped3A_286, %dma_wait3A_423, %dma_wait3A_424] : memref<2x40x1024xf32, #tpu.memory_space<vmem>> -> memref<1x40x1024xf32, #tpu.memory_space<vmem>>
      %dma_wait3A_426 = tpu.memref_squeeze %dma_wait3A_425 : memref<1x40x1024xf32, #tpu.memory_space<vmem>> -> memref<40x1024xf32, #tpu.memory_space<vmem>>
      %dma_wait3A_427 = arith.constant 0 : i32
      %dma_wait3A_428 = tpu.memref_slice %arg2[%select_n3A, %sub3A_285, %dma_wait3A_427] : memref<4x2048x1024xf32, #tpu.memory_space<hbm>> -> memref<1x40x1024xf32, #tpu.memory_space<hbm>>
      %dma_wait3A_429 = tpu.memref_squeeze %dma_wait3A_428 : memref<1x40x1024xf32, #tpu.memory_space<hbm>> -> memref<40x1024xf32, #tpu.memory_space<hbm>>
      tpu.wait_dma2 semaphore(%run_scoped3A_401 : memref<!tpu.dma_semaphore, #tpu.memory_space<semaphore_mem>>) src(%dma_wait3A_429 : memref<40x1024xf32, #tpu.memory_space<hbm>>) dst(%dma_wait3A_426 : memref<40x1024xf32, #tpu.memory_space<vmem>>)
      tpu.yield
    }) : () -> ()
    %add3A_287 = arith.constant 48 : i32
    %add3A_288 = arith.addi %add3A_287, %mul3A_20 : i32
    %add3A_289 = arith.constant 192 : i32
    %add3A_290 = arith.addi %add3A_288, %add3A_289 : i32
    %dma_start3A_291 = arith.constant 0 : i32
    %dma_start3A_292 = arith.constant 0 : i32
    %dma_start3A_293 = arith.constant 6 : i32
    %dma_start3A_294 = arith.constant 0 : i32
    %dma_start3A_295 = tpu.memref_slice %arg4[%dma_start3A_291, %dma_start3A_293, %dma_start3A_294] : memref<2x40x1024xf32, #tpu.memory_space<vmem>> -> memref<1x32x1024xf32, #tpu.memory_space<vmem>>
    %dma_start3A_296 = tpu.memref_squeeze %dma_start3A_295 : memref<1x32x1024xf32, #tpu.memory_space<vmem>> -> memref<32x1024xf32, #tpu.memory_space<vmem>>
    %dma_start3A_297 = arith.constant 0 : i32
    %dma_start3A_298 = tpu.memref_slice %arg3[%select_n3A, %add3A_290, %dma_start3A_297] : memref<4x2098x1024xf32, #tpu.memory_space<hbm>> -> memref<1x32x1024xf32, #tpu.memory_space<hbm>>
    %dma_start3A_299 = tpu.memref_squeeze %dma_start3A_298 : memref<1x32x1024xf32, #tpu.memory_space<hbm>> -> memref<32x1024xf32, #tpu.memory_space<hbm>>
    %dma_start3A_300 = tpu.memref_slice %arg5[%dma_start3A_292] : memref<2x!tpu.dma_semaphore, #tpu.memory_space<semaphore_mem>> -> memref<1x!tpu.dma_semaphore, #tpu.memory_space<semaphore_mem>>
    %dma_start3A_301 = tpu.memref_squeeze %dma_start3A_300 : memref<1x!tpu.dma_semaphore, #tpu.memory_space<semaphore_mem>> -> memref<!tpu.dma_semaphore, #tpu.memory_space<semaphore_mem>>
    %dma_start3A_302 = arith.constant 0 : i32
    %dma_start3A_303 = tpu.memref_slice %arg3[%select_n3A, %add3A_290, %dma_start3A_302] : memref<4x2098x1024xf32, #tpu.memory_space<hbm>> -> memref<1x32x1024xf32, #tpu.memory_space<hbm>>
    %dma_start3A_304 = tpu.memref_squeeze %dma_start3A_303 : memref<1x32x1024xf32, #tpu.memory_space<hbm>> -> memref<32x1024xf32, #tpu.memory_space<hbm>>
    %dma_start3A_305 = arith.constant 6 : i32
    %dma_start3A_306 = arith.constant 0 : i32
    %dma_start3A_307 = tpu.memref_slice %arg4[%dma_start3A_291, %dma_start3A_305, %dma_start3A_306] : memref<2x40x1024xf32, #tpu.memory_space<vmem>> -> memref<1x32x1024xf32, #tpu.memory_space<vmem>>
    %dma_start3A_308 = tpu.memref_squeeze %dma_start3A_307 : memref<1x32x1024xf32, #tpu.memory_space<vmem>> -> memref<32x1024xf32, #tpu.memory_space<vmem>>
    tpu.enqueue_dma source(%dma_start3A_308 : memref<32x1024xf32, #tpu.memory_space<vmem>>) target(%dma_start3A_304 : memref<32x1024xf32, #tpu.memory_space<hbm>>) target_semaphore(%dma_start3A_301 : memref<!tpu.dma_semaphore, #tpu.memory_space<semaphore_mem>>)
    %dma_wait3A_309 = arith.constant 1 : i32
    %dma_wait3A_310 = arith.constant 1 : i32
    %dma_wait3A_311 = arith.constant 6 : i32
    %dma_wait3A_312 = arith.constant 0 : i32
    %dma_wait3A_313 = tpu.memref_slice %arg4[%dma_wait3A_309, %dma_wait3A_311, %dma_wait3A_312] : memref<2x40x1024xf32, #tpu.memory_space<vmem>> -> memref<1x32x1024xf32, #tpu.memory_space<vmem>>
    %dma_wait3A_314 = tpu.memref_squeeze %dma_wait3A_313 : memref<1x32x1024xf32, #tpu.memory_space<vmem>> -> memref<32x1024xf32, #tpu.memory_space<vmem>>
    %dma_wait3A_315 = arith.constant 50 : i32
    %dma_wait3A_316 = arith.constant 0 : i32
    %dma_wait3A_317 = tpu.memref_slice %arg3[%select_n3A, %dma_wait3A_315, %dma_wait3A_316] : memref<4x2098x1024xf32, #tpu.memory_space<hbm>> -> memref<1x32x1024xf32, #tpu.memory_space<hbm>>
    %dma_wait3A_318 = tpu.memref_squeeze %dma_wait3A_317 : memref<1x32x1024xf32, #tpu.memory_space<hbm>> -> memref<32x1024xf32, #tpu.memory_space<hbm>>
    %dma_wait3A_319 = tpu.memref_slice %arg5[%dma_wait3A_310] : memref<2x!tpu.dma_semaphore, #tpu.memory_space<semaphore_mem>> -> memref<1x!tpu.dma_semaphore, #tpu.memory_space<semaphore_mem>>
    %dma_wait3A_320 = tpu.memref_squeeze %dma_wait3A_319 : memref<1x!tpu.dma_semaphore, #tpu.memory_space<semaphore_mem>> -> memref<!tpu.dma_semaphore, #tpu.memory_space<semaphore_mem>>
    %dma_wait3A_321 = arith.constant 50 : i32
    %dma_wait3A_322 = arith.constant 0 : i32
    %dma_wait3A_323 = tpu.memref_slice %arg3[%select_n3A, %dma_wait3A_321, %dma_wait3A_322] : memref<4x2098x1024xf32, #tpu.memory_space<hbm>> -> memref<1x32x1024xf32, #tpu.memory_space<hbm>>
    %dma_wait3A_324 = tpu.memref_squeeze %dma_wait3A_323 : memref<1x32x1024xf32, #tpu.memory_space<hbm>> -> memref<32x1024xf32, #tpu.memory_space<hbm>>
    %dma_wait3A_325 = arith.constant 6 : i32
    %dma_wait3A_326 = arith.constant 0 : i32
    %dma_wait3A_327 = tpu.memref_slice %arg4[%dma_wait3A_309, %dma_wait3A_325, %dma_wait3A_326] : memref<2x40x1024xf32, #tpu.memory_space<vmem>> -> memref<1x32x1024xf32, #tpu.memory_space<vmem>>
    %dma_wait3A_328 = tpu.memref_squeeze %dma_wait3A_327 : memref<1x32x1024xf32, #tpu.memory_space<vmem>> -> memref<32x1024xf32, #tpu.memory_space<vmem>>
    tpu.wait_dma2 semaphore(%dma_wait3A_320 : memref<!tpu.dma_semaphore, #tpu.memory_space<semaphore_mem>>) src(%dma_wait3A_328 : memref<32x1024xf32, #tpu.memory_space<vmem>>) dst(%dma_wait3A_324 : memref<32x1024xf32, #tpu.memory_space<hbm>>)
    %add3A_329 = arith.constant 224 : i32
    %add3A_330 = arith.addi %mul3A_20, %add3A_329 : i32
    %sub3A_331 = arith.constant 8 : i32
    %sub3A_332 = arith.subi %add3A_330, %sub3A_331 : i32
    %run_scoped3A_333 = arith.constant 1 : i32
    "tpu.region"() ({
      %run_scoped3A_401 = tpu.sem_alloc : memref<!tpu.dma_semaphore, #tpu.memory_space<semaphore_mem>>
      %dma_start3A_402 = arith.constant 0 : i32
      %dma_start3A_403 = arith.constant 0 : i32
      %dma_start3A_404 = tpu.memref_slice %arg4[%run_scoped3A_333, %dma_start3A_402, %dma_start3A_403] : memref<2x40x1024xf32, #tpu.memory_space<vmem>> -> memref<1x40x1024xf32, #tpu.memory_space<vmem>>
      %dma_start3A_405 = tpu.memref_squeeze %dma_start3A_404 : memref<1x40x1024xf32, #tpu.memory_space<vmem>> -> memref<40x1024xf32, #tpu.memory_space<vmem>>
      %dma_start3A_406 = arith.constant 0 : i32
      %dma_start3A_407 = tpu.memref_slice %arg2[%select_n3A, %sub3A_332, %dma_start3A_406] : memref<4x2048x1024xf32, #tpu.memory_space<hbm>> -> memref<1x40x1024xf32, #tpu.memory_space<hbm>>
      %dma_start3A_408 = tpu.memref_squeeze %dma_start3A_407 : memref<1x40x1024xf32, #tpu.memory_space<hbm>> -> memref<40x1024xf32, #tpu.memory_space<hbm>>
      %dma_start3A_409 = arith.constant 0 : i32
      %dma_start3A_410 = arith.constant 0 : i32
      %dma_start3A_411 = tpu.memref_slice %arg4[%run_scoped3A_333, %dma_start3A_409, %dma_start3A_410] : memref<2x40x1024xf32, #tpu.memory_space<vmem>> -> memref<1x40x1024xf32, #tpu.memory_space<vmem>>
      %dma_start3A_412 = tpu.memref_squeeze %dma_start3A_411 : memref<1x40x1024xf32, #tpu.memory_space<vmem>> -> memref<40x1024xf32, #tpu.memory_space<vmem>>
      %dma_start3A_413 = arith.constant 0 : i32
      %dma_start3A_414 = tpu.memref_slice %arg2[%select_n3A, %sub3A_332, %dma_start3A_413] : memref<4x2048x1024xf32, #tpu.memory_space<hbm>> -> memref<1x40x1024xf32, #tpu.memory_space<hbm>>
      %dma_start3A_415 = tpu.memref_squeeze %dma_start3A_414 : memref<1x40x1024xf32, #tpu.memory_space<hbm>> -> memref<40x1024xf32, #tpu.memory_space<hbm>>
      tpu.enqueue_dma source(%dma_start3A_415 : memref<40x1024xf32, #tpu.memory_space<hbm>>) target(%dma_start3A_412 : memref<40x1024xf32, #tpu.memory_space<vmem>>) target_semaphore(%run_scoped3A_401 : memref<!tpu.dma_semaphore, #tpu.memory_space<semaphore_mem>>)
      %dma_wait3A_416 = arith.constant 0 : i32
      %dma_wait3A_417 = arith.constant 0 : i32
      %dma_wait3A_418 = tpu.memref_slice %arg4[%run_scoped3A_333, %dma_wait3A_416, %dma_wait3A_417] : memref<2x40x1024xf32, #tpu.memory_space<vmem>> -> memref<1x40x1024xf32, #tpu.memory_space<vmem>>
      %dma_wait3A_419 = tpu.memref_squeeze %dma_wait3A_418 : memref<1x40x1024xf32, #tpu.memory_space<vmem>> -> memref<40x1024xf32, #tpu.memory_space<vmem>>
      %dma_wait3A_420 = arith.constant 0 : i32
      %dma_wait3A_421 = tpu.memref_slice %arg2[%select_n3A, %sub3A_332, %dma_wait3A_420] : memref<4x2048x1024xf32, #tpu.memory_space<hbm>> -> memref<1x40x1024xf32, #tpu.memory_space<hbm>>
      %dma_wait3A_422 = tpu.memref_squeeze %dma_wait3A_421 : memref<1x40x1024xf32, #tpu.memory_space<hbm>> -> memref<40x1024xf32, #tpu.memory_space<hbm>>
      %dma_wait3A_423 = arith.constant 0 : i32
      %dma_wait3A_424 = arith.constant 0 : i32
      %dma_wait3A_425 = tpu.memref_slice %arg4[%run_scoped3A_333, %dma_wait3A_423, %dma_wait3A_424] : memref<2x40x1024xf32, #tpu.memory_space<vmem>> -> memref<1x40x1024xf32, #tpu.memory_space<vmem>>
      %dma_wait3A_426 = tpu.memref_squeeze %dma_wait3A_425 : memref<1x40x1024xf32, #tpu.memory_space<vmem>> -> memref<40x1024xf32, #tpu.memory_space<vmem>>
      %dma_wait3A_427 = arith.constant 0 : i32
      %dma_wait3A_428 = tpu.memref_slice %arg2[%select_n3A, %sub3A_332, %dma_wait3A_427] : memref<4x2048x1024xf32, #tpu.memory_space<hbm>> -> memref<1x40x1024xf32, #tpu.memory_space<hbm>>
      %dma_wait3A_429 = tpu.memref_squeeze %dma_wait3A_428 : memref<1x40x1024xf32, #tpu.memory_space<hbm>> -> memref<40x1024xf32, #tpu.memory_space<hbm>>
      tpu.wait_dma2 semaphore(%run_scoped3A_401 : memref<!tpu.dma_semaphore, #tpu.memory_space<semaphore_mem>>) src(%dma_wait3A_429 : memref<40x1024xf32, #tpu.memory_space<hbm>>) dst(%dma_wait3A_426 : memref<40x1024xf32, #tpu.memory_space<vmem>>)
      tpu.yield
    }) : () -> ()
    %add3A_334 = arith.constant 48 : i32
    %add3A_335 = arith.addi %add3A_334, %mul3A_20 : i32
    %add3A_336 = arith.constant 224 : i32
    %add3A_337 = arith.addi %add3A_335, %add3A_336 : i32
    %dma_start3A_338 = arith.constant 1 : i32
    %dma_start3A_339 = arith.constant 1 : i32
    %dma_start3A_340 = arith.constant 6 : i32
    %dma_start3A_341 = arith.constant 0 : i32
    %dma_start3A_342 = tpu.memref_slice %arg4[%dma_start3A_338, %dma_start3A_340, %dma_start3A_341] : memref<2x40x1024xf32, #tpu.memory_space<vmem>> -> memref<1x32x1024xf32, #tpu.memory_space<vmem>>
    %dma_start3A_343 = tpu.memref_squeeze %dma_start3A_342 : memref<1x32x1024xf32, #tpu.memory_space<vmem>> -> memref<32x1024xf32, #tpu.memory_space<vmem>>
    %dma_start3A_344 = arith.constant 0 : i32
    %dma_start3A_345 = tpu.memref_slice %arg3[%select_n3A, %add3A_337, %dma_start3A_344] : memref<4x2098x1024xf32, #tpu.memory_space<hbm>> -> memref<1x32x1024xf32, #tpu.memory_space<hbm>>
    %dma_start3A_346 = tpu.memref_squeeze %dma_start3A_345 : memref<1x32x1024xf32, #tpu.memory_space<hbm>> -> memref<32x1024xf32, #tpu.memory_space<hbm>>
    %dma_start3A_347 = tpu.memref_slice %arg5[%dma_start3A_339] : memref<2x!tpu.dma_semaphore, #tpu.memory_space<semaphore_mem>> -> memref<1x!tpu.dma_semaphore, #tpu.memory_space<semaphore_mem>>
    %dma_start3A_348 = tpu.memref_squeeze %dma_start3A_347 : memref<1x!tpu.dma_semaphore, #tpu.memory_space<semaphore_mem>> -> memref<!tpu.dma_semaphore, #tpu.memory_space<semaphore_mem>>
    %dma_start3A_349 = arith.constant 0 : i32
    %dma_start3A_350 = tpu.memref_slice %arg3[%select_n3A, %add3A_337, %dma_start3A_349] : memref<4x2098x1024xf32, #tpu.memory_space<hbm>> -> memref<1x32x1024xf32, #tpu.memory_space<hbm>>
    %dma_start3A_351 = tpu.memref_squeeze %dma_start3A_350 : memref<1x32x1024xf32, #tpu.memory_space<hbm>> -> memref<32x1024xf32, #tpu.memory_space<hbm>>
    %dma_start3A_352 = arith.constant 6 : i32
    %dma_start3A_353 = arith.constant 0 : i32
    %dma_start3A_354 = tpu.memref_slice %arg4[%dma_start3A_338, %dma_start3A_352, %dma_start3A_353] : memref<2x40x1024xf32, #tpu.memory_space<vmem>> -> memref<1x32x1024xf32, #tpu.memory_space<vmem>>
    %dma_start3A_355 = tpu.memref_squeeze %dma_start3A_354 : memref<1x32x1024xf32, #tpu.memory_space<vmem>> -> memref<32x1024xf32, #tpu.memory_space<vmem>>
    tpu.enqueue_dma source(%dma_start3A_355 : memref<32x1024xf32, #tpu.memory_space<vmem>>) target(%dma_start3A_351 : memref<32x1024xf32, #tpu.memory_space<hbm>>) target_semaphore(%dma_start3A_348 : memref<!tpu.dma_semaphore, #tpu.memory_space<semaphore_mem>>)
    %dma_wait3A_356 = arith.constant 0 : i32
    %dma_wait3A_357 = arith.constant 0 : i32
    %dma_wait3A_358 = arith.constant 6 : i32
    %dma_wait3A_359 = arith.constant 0 : i32
    %dma_wait3A_360 = tpu.memref_slice %arg4[%dma_wait3A_356, %dma_wait3A_358, %dma_wait3A_359] : memref<2x40x1024xf32, #tpu.memory_space<vmem>> -> memref<1x32x1024xf32, #tpu.memory_space<vmem>>
    %dma_wait3A_361 = tpu.memref_squeeze %dma_wait3A_360 : memref<1x32x1024xf32, #tpu.memory_space<vmem>> -> memref<32x1024xf32, #tpu.memory_space<vmem>>
    %dma_wait3A_362 = arith.constant 50 : i32
    %dma_wait3A_363 = arith.constant 0 : i32
    %dma_wait3A_364 = tpu.memref_slice %arg3[%select_n3A, %dma_wait3A_362, %dma_wait3A_363] : memref<4x2098x1024xf32, #tpu.memory_space<hbm>> -> memref<1x32x1024xf32, #tpu.memory_space<hbm>>
    %dma_wait3A_365 = tpu.memref_squeeze %dma_wait3A_364 : memref<1x32x1024xf32, #tpu.memory_space<hbm>> -> memref<32x1024xf32, #tpu.memory_space<hbm>>
    %dma_wait3A_366 = tpu.memref_slice %arg5[%dma_wait3A_357] : memref<2x!tpu.dma_semaphore, #tpu.memory_space<semaphore_mem>> -> memref<1x!tpu.dma_semaphore, #tpu.memory_space<semaphore_mem>>
    %dma_wait3A_367 = tpu.memref_squeeze %dma_wait3A_366 : memref<1x!tpu.dma_semaphore, #tpu.memory_space<semaphore_mem>> -> memref<!tpu.dma_semaphore, #tpu.memory_space<semaphore_mem>>
    %dma_wait3A_368 = arith.constant 50 : i32
    %dma_wait3A_369 = arith.constant 0 : i32
    %dma_wait3A_370 = tpu.memref_slice %arg3[%select_n3A, %dma_wait3A_368, %dma_wait3A_369] : memref<4x2098x1024xf32, #tpu.memory_space<hbm>> -> memref<1x32x1024xf32, #tpu.memory_space<hbm>>
    %dma_wait3A_371 = tpu.memref_squeeze %dma_wait3A_370 : memref<1x32x1024xf32, #tpu.memory_space<hbm>> -> memref<32x1024xf32, #tpu.memory_space<hbm>>
    %dma_wait3A_372 = arith.constant 6 : i32
    %dma_wait3A_373 = arith.constant 0 : i32
    %dma_wait3A_374 = tpu.memref_slice %arg4[%dma_wait3A_356, %dma_wait3A_372, %dma_wait3A_373] : memref<2x40x1024xf32, #tpu.memory_space<vmem>> -> memref<1x32x1024xf32, #tpu.memory_space<vmem>>
    %dma_wait3A_375 = tpu.memref_squeeze %dma_wait3A_374 : memref<1x32x1024xf32, #tpu.memory_space<vmem>> -> memref<32x1024xf32, #tpu.memory_space<vmem>>
    tpu.wait_dma2 semaphore(%dma_wait3A_367 : memref<!tpu.dma_semaphore, #tpu.memory_space<semaphore_mem>>) src(%dma_wait3A_375 : memref<32x1024xf32, #tpu.memory_space<vmem>>) dst(%dma_wait3A_371 : memref<32x1024xf32, #tpu.memory_space<hbm>>)
    %dma_wait3A_376 = arith.constant 1 : i32
    %dma_wait3A_377 = arith.constant 1 : i32
    %dma_wait3A_378 = arith.constant 6 : i32
    %dma_wait3A_379 = arith.constant 0 : i32
    %dma_wait3A_380 = tpu.memref_slice %arg4[%dma_wait3A_376, %dma_wait3A_378, %dma_wait3A_379] : memref<2x40x1024xf32, #tpu.memory_space<vmem>> -> memref<1x32x1024xf32, #tpu.memory_space<vmem>>
    %dma_wait3A_381 = tpu.memref_squeeze %dma_wait3A_380 : memref<1x32x1024xf32, #tpu.memory_space<vmem>> -> memref<32x1024xf32, #tpu.memory_space<vmem>>
    %dma_wait3A_382 = arith.constant 50 : i32
    %dma_wait3A_383 = arith.constant 0 : i32
    %dma_wait3A_384 = tpu.memref_slice %arg3[%select_n3A, %dma_wait3A_382, %dma_wait3A_383] : memref<4x2098x1024xf32, #tpu.memory_space<hbm>> -> memref<1x32x1024xf32, #tpu.memory_space<hbm>>
    %dma_wait3A_385 = tpu.memref_squeeze %dma_wait3A_384 : memref<1x32x1024xf32, #tpu.memory_space<hbm>> -> memref<32x1024xf32, #tpu.memory_space<hbm>>
    %dma_wait3A_386 = tpu.memref_slice %arg5[%dma_wait3A_377] : memref<2x!tpu.dma_semaphore, #tpu.memory_space<semaphore_mem>> -> memref<1x!tpu.dma_semaphore, #tpu.memory_space<semaphore_mem>>
    %dma_wait3A_387 = tpu.memref_squeeze %dma_wait3A_386 : memref<1x!tpu.dma_semaphore, #tpu.memory_space<semaphore_mem>> -> memref<!tpu.dma_semaphore, #tpu.memory_space<semaphore_mem>>
    %dma_wait3A_388 = arith.constant 50 : i32
    %dma_wait3A_389 = arith.constant 0 : i32
    %dma_wait3A_390 = tpu.memref_slice %arg3[%select_n3A, %dma_wait3A_388, %dma_wait3A_389] : memref<4x2098x1024xf32, #tpu.memory_space<hbm>> -> memref<1x32x1024xf32, #tpu.memory_space<hbm>>
    %dma_wait3A_391 = tpu.memref_squeeze %dma_wait3A_390 : memref<1x32x1024xf32, #tpu.memory_space<hbm>> -> memref<32x1024xf32, #tpu.memory_space<hbm>>
    %dma_wait3A_392 = arith.constant 6 : i32
    %dma_wait3A_393 = arith.constant 0 : i32
    %dma_wait3A_394 = tpu.memref_slice %arg4[%dma_wait3A_376, %dma_wait3A_392, %dma_wait3A_393] : memref<2x40x1024xf32, #tpu.memory_space<vmem>> -> memref<1x32x1024xf32, #tpu.memory_space<vmem>>
    %dma_wait3A_395 = tpu.memref_squeeze %dma_wait3A_394 : memref<1x32x1024xf32, #tpu.memory_space<vmem>> -> memref<32x1024xf32, #tpu.memory_space<vmem>>
    tpu.wait_dma2 semaphore(%dma_wait3A_387 : memref<!tpu.dma_semaphore, #tpu.memory_space<semaphore_mem>>) src(%dma_wait3A_395 : memref<32x1024xf32, #tpu.memory_space<vmem>>) dst(%dma_wait3A_391 : memref<32x1024xf32, #tpu.memory_space<hbm>>)
    %eq3A_396 = arith.constant 7 : i32
    %eq3A_397 = arith.cmpi eq, %rem3A_18, %eq3A_396 : i32
    %convert_element_type3A_398 = arith.extui %eq3A_397 : i1 to i32
    %cond3A_399 = arith.constant 0 : i32
    %cond3A_400 = arith.cmpi ne, %convert_element_type3A_398, %cond3A_399 : i32
    scf.if %cond3A_400 {
      %run_scoped3A_401 = arith.constant 1 : i32
      "tpu.region"() ({
        %run_scoped3A_402 = tpu.sem_alloc : memref<!tpu.dma_semaphore, #tpu.memory_space<semaphore_mem>>
        %dma_start3A_403 = arith.constant 38 : i32
        %dma_start3A_404 = arith.constant 0 : i32
        %dma_start3A_405 = tpu.memref_slice %arg4[%run_scoped3A_401, %dma_start3A_403, %dma_start3A_404] : memref<2x40x1024xf32, #tpu.memory_space<vmem>> -> memref<1x2x1024xf32, #tpu.memory_space<vmem>>
        %dma_start3A_406 = tpu.memref_squeeze %dma_start3A_405 : memref<1x2x1024xf32, #tpu.memory_space<vmem>> -> memref<2x1024xf32, #tpu.memory_space<vmem>>
        %dma_start3A_407 = arith.constant 2096 : i32
        %dma_start3A_408 = arith.constant 0 : i32
        %dma_start3A_409 = tpu.memref_slice %arg3[%select_n3A, %dma_start3A_407, %dma_start3A_408] : memref<4x2098x1024xf32, #tpu.memory_space<hbm>> -> memref<1x2x1024xf32, #tpu.memory_space<hbm>>
        %dma_start3A_410 = tpu.memref_squeeze %dma_start3A_409 : memref<1x2x1024xf32, #tpu.memory_space<hbm>> -> memref<2x1024xf32, #tpu.memory_space<hbm>>
        %dma_start3A_411 = arith.constant 2096 : i32
        %dma_start3A_412 = arith.constant 0 : i32
        %dma_start3A_413 = tpu.memref_slice %arg3[%select_n3A, %dma_start3A_411, %dma_start3A_412] : memref<4x2098x1024xf32, #tpu.memory_space<hbm>> -> memref<1x2x1024xf32, #tpu.memory_space<hbm>>
        %dma_start3A_414 = tpu.memref_squeeze %dma_start3A_413 : memref<1x2x1024xf32, #tpu.memory_space<hbm>> -> memref<2x1024xf32, #tpu.memory_space<hbm>>
        %dma_start3A_415 = arith.constant 38 : i32
        %dma_start3A_416 = arith.constant 0 : i32
        %dma_start3A_417 = tpu.memref_slice %arg4[%run_scoped3A_401, %dma_start3A_415, %dma_start3A_416] : memref<2x40x1024xf32, #tpu.memory_space<vmem>> -> memref<1x2x1024xf32, #tpu.memory_space<vmem>>
        %dma_start3A_418 = tpu.memref_squeeze %dma_start3A_417 : memref<1x2x1024xf32, #tpu.memory_space<vmem>> -> memref<2x1024xf32, #tpu.memory_space<vmem>>
        tpu.enqueue_dma source(%dma_start3A_418 : memref<2x1024xf32, #tpu.memory_space<vmem>>) target(%dma_start3A_414 : memref<2x1024xf32, #tpu.memory_space<hbm>>) target_semaphore(%run_scoped3A_402 : memref<!tpu.dma_semaphore, #tpu.memory_space<semaphore_mem>>)
        %dma_wait3A_419 = arith.constant 38 : i32
        %dma_wait3A_420 = arith.constant 0 : i32
        %dma_wait3A_421 = tpu.memref_slice %arg4[%run_scoped3A_401, %dma_wait3A_419, %dma_wait3A_420] : memref<2x40x1024xf32, #tpu.memory_space<vmem>> -> memref<1x2x1024xf32, #tpu.memory_space<vmem>>
        %dma_wait3A_422 = tpu.memref_squeeze %dma_wait3A_421 : memref<1x2x1024xf32, #tpu.memory_space<vmem>> -> memref<2x1024xf32, #tpu.memory_space<vmem>>
        %dma_wait3A_423 = arith.constant 2096 : i32
        %dma_wait3A_424 = arith.constant 0 : i32
        %dma_wait3A_425 = tpu.memref_slice %arg3[%select_n3A, %dma_wait3A_423, %dma_wait3A_424] : memref<4x2098x1024xf32, #tpu.memory_space<hbm>> -> memref<1x2x1024xf32, #tpu.memory_space<hbm>>
        %dma_wait3A_426 = tpu.memref_squeeze %dma_wait3A_425 : memref<1x2x1024xf32, #tpu.memory_space<hbm>> -> memref<2x1024xf32, #tpu.memory_space<hbm>>
        %dma_wait3A_427 = arith.constant 2096 : i32
        %dma_wait3A_428 = arith.constant 0 : i32
        %dma_wait3A_429 = tpu.memref_slice %arg3[%select_n3A, %dma_wait3A_427, %dma_wait3A_428] : memref<4x2098x1024xf32, #tpu.memory_space<hbm>> -> memref<1x2x1024xf32, #tpu.memory_space<hbm>>
        %dma_wait3A_430 = tpu.memref_squeeze %dma_wait3A_429 : memref<1x2x1024xf32, #tpu.memory_space<hbm>> -> memref<2x1024xf32, #tpu.memory_space<hbm>>
        %dma_wait3A_431 = arith.constant 38 : i32
        %dma_wait3A_432 = arith.constant 0 : i32
        %dma_wait3A_433 = tpu.memref_slice %arg4[%run_scoped3A_401, %dma_wait3A_431, %dma_wait3A_432] : memref<2x40x1024xf32, #tpu.memory_space<vmem>> -> memref<1x2x1024xf32, #tpu.memory_space<vmem>>
        %dma_wait3A_434 = tpu.memref_squeeze %dma_wait3A_433 : memref<1x2x1024xf32, #tpu.memory_space<vmem>> -> memref<2x1024xf32, #tpu.memory_space<vmem>>
        tpu.wait_dma2 semaphore(%run_scoped3A_402 : memref<!tpu.dma_semaphore, #tpu.memory_space<semaphore_mem>>) src(%dma_wait3A_434 : memref<2x1024xf32, #tpu.memory_space<vmem>>) dst(%dma_wait3A_430 : memref<2x1024xf32, #tpu.memory_space<hbm>>)
        tpu.yield
      }) : () -> ()
    } else {
    }
    return
  }
}

module attributes {stable_mosaic.version = 14 : i64} {
  func.func @_mean_body(%arg0: i32, %arg1: i32, %arg2: memref<1x256x1024xf32, #tpu.memory_space<vmem>>, %arg3: memref<1x8x1024xf32, #tpu.memory_space<vmem>>, %arg4: memref<8x1024xf32, #tpu.memory_space<vmem>>) attributes {dimension_semantics = [#tpu.dimension_semantics<arbitrary>, #tpu.dimension_semantics<arbitrary>], iteration_bounds = array<i64: 4, 8>, scalar_prefetch = 0 : i64, scratch_operands = 1 : i64, tpu.core_type = #tpu.core_type<tc>, window_params = [{transform_indices = @transform_0, window_bounds = array<i64: 1, 256, 1024>}, {transform_indices = @transform_1, window_bounds = array<i64: 1, 8, 1024>}]} {
    %get3A = arith.constant 0 : index
    %get3A_0 = arith.constant 0 : index
    %get3A_1 = arith.constant 0 : index
    %get3A_2 = vector.load %arg2[%get3A, %get3A_0, %get3A_1] : memref<1x256x1024xf32, #tpu.memory_space<vmem>>, vector<1x256x1024xf32>
    %get3A_3 = vector.shape_cast %get3A_2 : vector<1x256x1024xf32> to vector<256x1024xf32>
    %reduce_sum3A = arith.constant dense<0.000000e+00> : vector<1024xf32>
    %reduce_sum3A_4 = vector.multi_reduction <add>, %get3A_3, %reduce_sum3A [0] : vector<256x1024xf32> to vector<1024xf32>
    %broadcast_in_dim3A = vector.shape_cast %reduce_sum3A_4 : vector<1024xf32> to vector<1x1024xf32>
    %eq3A = arith.constant 0 : i32
    %eq3A_5 = arith.cmpi eq, %arg1, %eq3A : i32
    %convert_element_type3A = arith.extui %eq3A_5 : i1 to i32
    %cond3A = arith.constant 0 : i32
    %cond3A_6 = arith.cmpi ne, %convert_element_type3A, %cond3A : i32
    scf.if %cond3A_6 {
      %swap3A = arith.constant 0 : index
      %swap3A_16 = arith.constant 0 : index
      %swap3A_17 = vector.load %arg4[%swap3A, %swap3A_16] : memref<8x1024xf32, #tpu.memory_space<vmem>>, vector<1x1024xf32>
      tpu.vector_store %arg4[%swap3A, %swap3A_16], %broadcast_in_dim3A {strides = array<i32>} : memref<8x1024xf32, #tpu.memory_space<vmem>>, vector<1x1024xf32>,
    } else {
    }
    %ne3A = arith.constant 0 : i32
    %ne3A_7 = arith.cmpi ne, %arg1, %ne3A : i32
    %convert_element_type3A_8 = arith.extui %ne3A_7 : i1 to i32
    %cond3A_9 = arith.constant 0 : i32
    %cond3A_10 = arith.cmpi ne, %convert_element_type3A_8, %cond3A_9 : i32
    scf.if %cond3A_10 {
      %get3A_16 = arith.constant 0 : index
      %get3A_17 = arith.constant 0 : index
      %get3A_18 = vector.load %arg4[%get3A_16, %get3A_17] : memref<8x1024xf32, #tpu.memory_space<vmem>>, vector<1x1024xf32>
      %add3A = arith.addf %get3A_18, %broadcast_in_dim3A : vector<1x1024xf32>
      %swap3A = arith.constant 0 : index
      %swap3A_19 = arith.constant 0 : index
      %swap3A_20 = vector.load %arg4[%swap3A, %swap3A_19] : memref<8x1024xf32, #tpu.memory_space<vmem>>, vector<1x1024xf32>
      tpu.vector_store %arg4[%swap3A, %swap3A_19], %add3A {strides = array<i32>} : memref<8x1024xf32, #tpu.memory_space<vmem>>, vector<1x1024xf32>,
    } else {
    }
    %eq3A_11 = arith.constant 7 : i32
    %eq3A_12 = arith.cmpi eq, %arg1, %eq3A_11 : i32
    %convert_element_type3A_13 = arith.extui %eq3A_12 : i1 to i32
    %cond3A_14 = arith.constant 0 : i32
    %cond3A_15 = arith.cmpi ne, %convert_element_type3A_13, %cond3A_14 : i32
    scf.if %cond3A_15 {
      %get3A_16 = arith.constant 0 : index
      %get3A_17 = arith.constant 0 : index
      %get3A_18 = vector.load %arg4[%get3A_16, %get3A_17] : memref<8x1024xf32, #tpu.memory_space<vmem>>, vector<1x1024xf32>
      %mul3A = arith.constant 4.8828125E-4 : f32
      %mul3A_19 = vector.broadcast %mul3A : f32 to vector<1x1024xf32>
      %mul3A_20 = arith.mulf %get3A_18, %mul3A_19 : vector<1x1024xf32>
      %swap3A = arith.constant 0 : index
      %swap3A_21 = arith.constant 0 : index
      %swap3A_22 = arith.constant 0 : index
      %swap3A_23 = vector.load %arg3[%swap3A, %swap3A_21, %swap3A_22] : memref<1x8x1024xf32, #tpu.memory_space<vmem>>, vector<1x1x1024xf32>
      %swap3A_24 = vector.shape_cast %swap3A_23 : vector<1x1x1024xf32> to vector<1x1024xf32>
      %swap3A_25 = vector.shape_cast %mul3A_20 : vector<1x1024xf32> to vector<1x1x1024xf32>
      tpu.vector_store %arg3[%swap3A, %swap3A_21, %swap3A_22], %swap3A_25 {strides = array<i32>} : memref<1x8x1024xf32, #tpu.memory_space<vmem>>, vector<1x1x1024xf32>,
    } else {
    }
    return
  }
  func.func @transform_0(%arg0: i32, %arg1: i32) -> (i32, i32, i32) {
    %c0_i32 = arith.constant 0 : i32
    %c0_i32_0 = arith.constant 0 : i32
    return %arg0, %arg1, %c0_i32 : i32, i32, i32
  }
  func.func @transform_1(%arg0: i32, %arg1: i32) -> (i32, i32, i32) {
    %c0_i32 = arith.constant 0 : i32
    %c0_i32_0 = arith.constant 0 : i32
    %c0_i32_1 = arith.constant 0 : i32
    return %arg0, %c0_i32, %c0_i32_0 : i32, i32, i32
  }
}

module attributes {stable_mosaic.version = 14 : i64} {
  func.func @_finish_body(%arg0: i32, %arg1: memref<4x2098x1024xf32, #tpu.memory_space<any>>, %arg2: memref<1x8x1024xf32, #tpu.memory_space<vmem>>, %arg3: memref<1000x1024xf32, #tpu.memory_space<vmem>>, %arg4: memref<100x1024xf32, #tpu.memory_space<vmem>>, %arg5: memref<4x2098x1024xf32, #tpu.memory_space<any>>, %arg6: memref<1x1x5xi32, #tpu.memory_space<smem>>, %arg7: memref<56x1024xf32, #tpu.memory_space<vmem>>, %arg8: memref<!tpu.dma_semaphore, #tpu.memory_space<semaphore_mem>>) attributes {dimension_semantics = [#tpu.dimension_semantics<arbitrary>], iteration_bounds = array<i64: 4>, scalar_prefetch = 0 : i64, scratch_operands = 2 : i64, tpu.core_type = #tpu.core_type<tc>, window_params = [{}, {transform_indices = @transform_1, window_bounds = array<i64: 1, 8, 1024>}, {pipeline_mode = #tpu.pipeline_mode<synchronous>, transform_indices = @transform_2, window_bounds = array<i64: 1000, 1024>}, {pipeline_mode = #tpu.pipeline_mode<synchronous>, transform_indices = @transform_3, window_bounds = array<i64: 100, 1024>}, {}, {transform_indices = @transform_5, window_bounds = array<i64: 1, 1, 5>}]} {
    %get3A = arith.constant 0 : index
    %get3A_0 = arith.constant 0 : index
    %get3A_1 = arith.constant 0 : index
    %get3A_2 = vector.load %arg2[%get3A, %get3A_0, %get3A_1] : memref<1x8x1024xf32, #tpu.memory_space<vmem>>, vector<1x1x1024xf32>
    %get3A_3 = vector.shape_cast %get3A_2 : vector<1x1x1024xf32> to vector<1x1024xf32>
    %mul3A = arith.mulf %get3A_3, %get3A_3 : vector<1x1024xf32>
    %reduce_sum3A = vector.shape_cast %mul3A : vector<1x1024xf32> to vector<1x1x1024xf32>
    %reduce_sum3A_4 = arith.constant dense<0.000000e+00> : vector<1xf32>
    %reduce_sum3A_5 = vector.multi_reduction <add>, %reduce_sum3A, %reduce_sum3A_4 [1, 2] : vector<1x1x1024xf32> to vector<1xf32>
    %reduce_sum3A_6 = vector.shape_cast %reduce_sum3A_5 : vector<1xf32> to vector<1x1x1xf32>
    %reduce_sum3A_7 = vector.extract %reduce_sum3A_6[0, 0, 0] : f32 from vector<1x1x1xf32>
    %sqrt3A = math.sqrt %reduce_sum3A_7 : f32
    %max3A = arith.constant 9.99999996E-13 : f32
    %max3A_8 = arith.maximumf %sqrt3A, %max3A : f32
    %div3A = vector.broadcast %max3A_8 : f32 to vector<1x1024xf32>
    %div3A_9 = arith.divf %get3A_3, %div3A : vector<1x1024xf32>
    %get3A_10 = arith.constant 0 : index
    %get3A_11 = arith.constant 0 : index
    %get3A_12 = vector.load %arg4[%get3A_10, %get3A_11] : memref<100x1024xf32, #tpu.memory_space<vmem>>, vector<100x1024xf32>
    %mul3A_13 = arith.mulf %get3A_12, %get3A_12 : vector<100x1024xf32>
    %reduce_sum3A_14 = arith.constant dense<0.000000e+00> : vector<100xf32>
    %reduce_sum3A_15 = vector.multi_reduction <add>, %mul3A_13, %reduce_sum3A_14 [1] : vector<100x1024xf32> to vector<100xf32>
    %broadcast_in_dim3A = vector.shape_cast %reduce_sum3A_15 : vector<100xf32> to vector<100x1xf32>
    %sqrt3A_16 = math.sqrt %broadcast_in_dim3A : vector<100x1xf32>
    %max3A_17 = arith.constant 9.99999996E-13 : f32
    %max3A_18 = vector.broadcast %max3A_17 : f32 to vector<100x1xf32>
    %max3A_19 = arith.maximumf %sqrt3A_16, %max3A_18 : vector<100x1xf32>
    %div3A_20 = vector.broadcast %max3A_19 : vector<100x1xf32> to vector<100x1024xf32>
    %div3A_21 = arith.divf %get3A_12, %div3A_20 : vector<100x1024xf32>
    %dot_general3A = arith.constant dense<0.000000e+00> : vector<1x100xf32>
    %dot_general3A_22 = tpu.matmul %div3A_9, %div3A_21, %dot_general3A {dimension_numbers = #tpu.dot_dimension_numbers<[1], [1], [0], [0], [0, 0, 1, 0], [], []>, transpose_lhs_hint = false} : vector<1x1024xf32>, vector<100x1024xf32>, vector<1x100xf32> -> vector<1x100xf32>
    %iota3A = tpu.iota {dimensions = array<i32: 1>} : vector<1x100xi32>
    %reduce_max3A = vector.shape_cast %dot_general3A_22 : vector<1x100xf32> to vector<1x1x100xf32>
    %reduce_max3A_23 = arith.constant dense<0xFF800000> : vector<1xf32>
    %reduce_max3A_24 = vector.multi_reduction <maximumf>, %reduce_max3A, %reduce_max3A_23 [1, 2] : vector<1x1x100xf32> to vector<1xf32>
    %reduce_max3A_25 = vector.shape_cast %reduce_max3A_24 : vector<1xf32> to vector<1x1x1xf32>
    %reduce_max3A_26 = vector.extract %reduce_max3A_25[0, 0, 0] : f32 from vector<1x1x1xf32>
    %eq3A = vector.broadcast %reduce_max3A_26 : f32 to vector<1x100xf32>
    %eq3A_27 = arith.cmpf oeq, %dot_general3A_22, %eq3A : vector<1x100xf32>
    %jit3A = arith.constant 100 : i32
    %broadcast_in_dim3A_28 = vector.broadcast %jit3A : i32 to vector<1x100xi32>
    %select_n3A = arith.select %eq3A_27, %iota3A, %broadcast_in_dim3A_28 : vector<1x100xi1>, vector<1x100xi32>
    %reduce_min3A = vector.shape_cast %select_n3A : vector<1x100xi32> to vector<1x1x100xi32>
    %reduce_min3A_29 = arith.constant dense<2147483647> : vector<1xi32>
    %reduce_min3A_30 = vector.multi_reduction <minsi>, %reduce_min3A, %reduce_min3A_29 [1, 2] : vector<1x1x100xi32> to vector<1xi32>
    %reduce_min3A_31 = vector.shape_cast %reduce_min3A_30 : vector<1xi32> to vector<1x1x1xi32>
    %reduce_min3A_32 = vector.extract %reduce_min3A_31[0, 0, 0] : i32 from vector<1x1x1xi32>
    %swap3A = arith.constant 0 : index
    %swap3A_33 = arith.constant 0 : index
    %swap3A_34 = arith.constant 0 : index
    %swap3A_35 = memref.load %arg6[%swap3A, %swap3A_33, %swap3A_34] : memref<1x1x5xi32, #tpu.memory_space<smem>>
    memref.store %reduce_min3A_32, %arg6[%swap3A, %swap3A_33, %swap3A_34] : memref<1x1x5xi32, #tpu.memory_space<smem>>
    %eq3A_36 = vector.broadcast %reduce_min3A_32 : i32 to vector<1x100xi32>
    %eq3A_37 = arith.cmpi eq, %iota3A, %eq3A_36 : vector<1x100xi32>
    %jit3A_38 = arith.constant 0xFF800000 : f32
    %broadcast_in_dim3A_39 = vector.broadcast %jit3A_38 : f32 to vector<1x100xf32>
    %select_n3A_40 = arith.select %eq3A_37, %broadcast_in_dim3A_39, %dot_general3A_22 : vector<1x100xi1>, vector<1x100xf32>
    %reduce_max3A_41 = vector.shape_cast %select_n3A_40 : vector<1x100xf32> to vector<1x1x100xf32>
    %reduce_max3A_42 = arith.constant dense<0xFF800000> : vector<1xf32>
    %reduce_max3A_43 = vector.multi_reduction <maximumf>, %reduce_max3A_41, %reduce_max3A_42 [1, 2] : vector<1x1x100xf32> to vector<1xf32>
    %reduce_max3A_44 = vector.shape_cast %reduce_max3A_43 : vector<1xf32> to vector<1x1x1xf32>
    %reduce_max3A_45 = vector.extract %reduce_max3A_44[0, 0, 0] : f32 from vector<1x1x1xf32>
    %eq3A_46 = vector.broadcast %reduce_max3A_45 : f32 to vector<1x100xf32>
    %eq3A_47 = arith.cmpf oeq, %select_n3A_40, %eq3A_46 : vector<1x100xf32>
    %jit3A_48 = arith.constant 100 : i32
    %broadcast_in_dim3A_49 = vector.broadcast %jit3A_48 : i32 to vector<1x100xi32>
    %select_n3A_50 = arith.select %eq3A_47, %iota3A, %broadcast_in_dim3A_49 : vector<1x100xi1>, vector<1x100xi32>
    %reduce_min3A_51 = vector.shape_cast %select_n3A_50 : vector<1x100xi32> to vector<1x1x100xi32>
    %reduce_min3A_52 = arith.constant dense<2147483647> : vector<1xi32>
    %reduce_min3A_53 = vector.multi_reduction <minsi>, %reduce_min3A_51, %reduce_min3A_52 [1, 2] : vector<1x1x100xi32> to vector<1xi32>
    %reduce_min3A_54 = vector.shape_cast %reduce_min3A_53 : vector<1xi32> to vector<1x1x1xi32>
    %reduce_min3A_55 = vector.extract %reduce_min3A_54[0, 0, 0] : i32 from vector<1x1x1xi32>
    %swap3A_56 = arith.constant 0 : index
    %swap3A_57 = arith.constant 0 : index
    %swap3A_58 = arith.constant 1 : index
    %swap3A_59 = memref.load %arg6[%swap3A_56, %swap3A_57, %swap3A_58] : memref<1x1x5xi32, #tpu.memory_space<smem>>
    memref.store %reduce_min3A_55, %arg6[%swap3A_56, %swap3A_57, %swap3A_58] : memref<1x1x5xi32, #tpu.memory_space<smem>>
    %eq3A_60 = vector.broadcast %reduce_min3A_55 : i32 to vector<1x100xi32>
    %eq3A_61 = arith.cmpi eq, %iota3A, %eq3A_60 : vector<1x100xi32>
    %jit3A_62 = arith.constant 0xFF800000 : f32
    %broadcast_in_dim3A_63 = vector.broadcast %jit3A_62 : f32 to vector<1x100xf32>
    %select_n3A_64 = arith.select %eq3A_61, %broadcast_in_dim3A_63, %select_n3A_40 : vector<1x100xi1>, vector<1x100xf32>
    %reduce_max3A_65 = vector.shape_cast %select_n3A_64 : vector<1x100xf32> to vector<1x1x100xf32>
    %reduce_max3A_66 = arith.constant dense<0xFF800000> : vector<1xf32>
    %reduce_max3A_67 = vector.multi_reduction <maximumf>, %reduce_max3A_65, %reduce_max3A_66 [1, 2] : vector<1x1x100xf32> to vector<1xf32>
    %reduce_max3A_68 = vector.shape_cast %reduce_max3A_67 : vector<1xf32> to vector<1x1x1xf32>
    %reduce_max3A_69 = vector.extract %reduce_max3A_68[0, 0, 0] : f32 from vector<1x1x1xf32>
    %eq3A_70 = vector.broadcast %reduce_max3A_69 : f32 to vector<1x100xf32>
    %eq3A_71 = arith.cmpf oeq, %select_n3A_64, %eq3A_70 : vector<1x100xf32>
    %jit3A_72 = arith.constant 100 : i32
    %broadcast_in_dim3A_73 = vector.broadcast %jit3A_72 : i32 to vector<1x100xi32>
    %select_n3A_74 = arith.select %eq3A_71, %iota3A, %broadcast_in_dim3A_73 : vector<1x100xi1>, vector<1x100xi32>
    %reduce_min3A_75 = vector.shape_cast %select_n3A_74 : vector<1x100xi32> to vector<1x1x100xi32>
    %reduce_min3A_76 = arith.constant dense<2147483647> : vector<1xi32>
    %reduce_min3A_77 = vector.multi_reduction <minsi>, %reduce_min3A_75, %reduce_min3A_76 [1, 2] : vector<1x1x100xi32> to vector<1xi32>
    %reduce_min3A_78 = vector.shape_cast %reduce_min3A_77 : vector<1xi32> to vector<1x1x1xi32>
    %reduce_min3A_79 = vector.extract %reduce_min3A_78[0, 0, 0] : i32 from vector<1x1x1xi32>
    %swap3A_80 = arith.constant 0 : index
    %swap3A_81 = arith.constant 0 : index
    %swap3A_82 = arith.constant 2 : index
    %swap3A_83 = memref.load %arg6[%swap3A_80, %swap3A_81, %swap3A_82] : memref<1x1x5xi32, #tpu.memory_space<smem>>
    memref.store %reduce_min3A_79, %arg6[%swap3A_80, %swap3A_81, %swap3A_82] : memref<1x1x5xi32, #tpu.memory_space<smem>>
    %eq3A_84 = vector.broadcast %reduce_min3A_79 : i32 to vector<1x100xi32>
    %eq3A_85 = arith.cmpi eq, %iota3A, %eq3A_84 : vector<1x100xi32>
    %jit3A_86 = arith.constant 0xFF800000 : f32
    %broadcast_in_dim3A_87 = vector.broadcast %jit3A_86 : f32 to vector<1x100xf32>
    %select_n3A_88 = arith.select %eq3A_85, %broadcast_in_dim3A_87, %select_n3A_64 : vector<1x100xi1>, vector<1x100xf32>
    %reduce_max3A_89 = vector.shape_cast %select_n3A_88 : vector<1x100xf32> to vector<1x1x100xf32>
    %reduce_max3A_90 = arith.constant dense<0xFF800000> : vector<1xf32>
    %reduce_max3A_91 = vector.multi_reduction <maximumf>, %reduce_max3A_89, %reduce_max3A_90 [1, 2] : vector<1x1x100xf32> to vector<1xf32>
    %reduce_max3A_92 = vector.shape_cast %reduce_max3A_91 : vector<1xf32> to vector<1x1x1xf32>
    %reduce_max3A_93 = vector.extract %reduce_max3A_92[0, 0, 0] : f32 from vector<1x1x1xf32>
    %eq3A_94 = vector.broadcast %reduce_max3A_93 : f32 to vector<1x100xf32>
    %eq3A_95 = arith.cmpf oeq, %select_n3A_88, %eq3A_94 : vector<1x100xf32>
    %jit3A_96 = arith.constant 100 : i32
    %broadcast_in_dim3A_97 = vector.broadcast %jit3A_96 : i32 to vector<1x100xi32>
    %select_n3A_98 = arith.select %eq3A_95, %iota3A, %broadcast_in_dim3A_97 : vector<1x100xi1>, vector<1x100xi32>
    %reduce_min3A_99 = vector.shape_cast %select_n3A_98 : vector<1x100xi32> to vector<1x1x100xi32>
    %reduce_min3A_100 = arith.constant dense<2147483647> : vector<1xi32>
    %reduce_min3A_101 = vector.multi_reduction <minsi>, %reduce_min3A_99, %reduce_min3A_100 [1, 2] : vector<1x1x100xi32> to vector<1xi32>
    %reduce_min3A_102 = vector.shape_cast %reduce_min3A_101 : vector<1xi32> to vector<1x1x1xi32>
    %reduce_min3A_103 = vector.extract %reduce_min3A_102[0, 0, 0] : i32 from vector<1x1x1xi32>
    %swap3A_104 = arith.constant 0 : index
    %swap3A_105 = arith.constant 0 : index
    %swap3A_106 = arith.constant 3 : index
    %swap3A_107 = memref.load %arg6[%swap3A_104, %swap3A_105, %swap3A_106] : memref<1x1x5xi32, #tpu.memory_space<smem>>
    memref.store %reduce_min3A_103, %arg6[%swap3A_104, %swap3A_105, %swap3A_106] : memref<1x1x5xi32, #tpu.memory_space<smem>>
    %eq3A_108 = vector.broadcast %reduce_min3A_103 : i32 to vector<1x100xi32>
    %eq3A_109 = arith.cmpi eq, %iota3A, %eq3A_108 : vector<1x100xi32>
    %jit3A_110 = arith.constant 0xFF800000 : f32
    %broadcast_in_dim3A_111 = vector.broadcast %jit3A_110 : f32 to vector<1x100xf32>
    %select_n3A_112 = arith.select %eq3A_109, %broadcast_in_dim3A_111, %select_n3A_88 : vector<1x100xi1>, vector<1x100xf32>
    %reduce_max3A_113 = vector.shape_cast %select_n3A_112 : vector<1x100xf32> to vector<1x1x100xf32>
    %reduce_max3A_114 = arith.constant dense<0xFF800000> : vector<1xf32>
    %reduce_max3A_115 = vector.multi_reduction <maximumf>, %reduce_max3A_113, %reduce_max3A_114 [1, 2] : vector<1x1x100xf32> to vector<1xf32>
    %reduce_max3A_116 = vector.shape_cast %reduce_max3A_115 : vector<1xf32> to vector<1x1x1xf32>
    %reduce_max3A_117 = vector.extract %reduce_max3A_116[0, 0, 0] : f32 from vector<1x1x1xf32>
    %eq3A_118 = vector.broadcast %reduce_max3A_117 : f32 to vector<1x100xf32>
    %eq3A_119 = arith.cmpf oeq, %select_n3A_112, %eq3A_118 : vector<1x100xf32>
    %jit3A_120 = arith.constant 100 : i32
    %broadcast_in_dim3A_121 = vector.broadcast %jit3A_120 : i32 to vector<1x100xi32>
    %select_n3A_122 = arith.select %eq3A_119, %iota3A, %broadcast_in_dim3A_121 : vector<1x100xi1>, vector<1x100xi32>
    %reduce_min3A_123 = vector.shape_cast %select_n3A_122 : vector<1x100xi32> to vector<1x1x100xi32>
    %reduce_min3A_124 = arith.constant dense<2147483647> : vector<1xi32>
    %reduce_min3A_125 = vector.multi_reduction <minsi>, %reduce_min3A_123, %reduce_min3A_124 [1, 2] : vector<1x1x100xi32> to vector<1xi32>
    %reduce_min3A_126 = vector.shape_cast %reduce_min3A_125 : vector<1xi32> to vector<1x1x1xi32>
    %reduce_min3A_127 = vector.extract %reduce_min3A_126[0, 0, 0] : i32 from vector<1x1x1xi32>
    %swap3A_128 = arith.constant 0 : index
    %swap3A_129 = arith.constant 0 : index
    %swap3A_130 = arith.constant 4 : index
    %swap3A_131 = memref.load %arg6[%swap3A_128, %swap3A_129, %swap3A_130] : memref<1x1x5xi32, #tpu.memory_space<smem>>
    memref.store %reduce_min3A_127, %arg6[%swap3A_128, %swap3A_129, %swap3A_130] : memref<1x1x5xi32, #tpu.memory_space<smem>>
    %iota3A_132 = tpu.iota {dimensions = array<i32: 0>} : vector<50x1000xi32>
    %iota3A_133 = tpu.iota {dimensions = array<i32: 1>} : vector<50x1000xi32>
    %jit3A_134 = arith.constant 10 : i32
    %div3A_135 = vector.broadcast %jit3A_134 : i32 to vector<50x1000xi32>
    %div3A_136 = arith.divsi %iota3A_132, %div3A_135 : vector<50x1000xi32>
    %sign3A = arith.constant 0 : i32
    %sign3A_137 = vector.broadcast %sign3A : i32 to vector<50x1000xi32>
    %sign3A_138 = arith.cmpi sgt, %iota3A_132, %sign3A_137 : vector<50x1000xi32>
    %sign3A_139 = arith.extui %sign3A_138 : vector<50x1000xi1> to vector<50x1000xi32>
    %sign3A_140 = arith.constant 0 : i32
    %sign3A_141 = vector.broadcast %sign3A_140 : i32 to vector<50x1000xi32>
    %sign3A_142 = arith.cmpi slt, %iota3A_132, %sign3A_141 : vector<50x1000xi32>
    %sign3A_143 = arith.extui %sign3A_142 : vector<50x1000xi1> to vector<50x1000xi32>
    %sign3A_144 = arith.subi %sign3A_139, %sign3A_143 : vector<50x1000xi32>
    %sign3A_145 = arith.constant 0 : i32
    %sign3A_146 = arith.cmpi sgt, %jit3A_134, %sign3A_145 : i32
    %sign3A_147 = arith.extui %sign3A_146 : i1 to i32
    %sign3A_148 = arith.constant 0 : i32
    %sign3A_149 = arith.cmpi slt, %jit3A_134, %sign3A_148 : i32
    %sign3A_150 = arith.extui %sign3A_149 : i1 to i32
    %sign3A_151 = arith.subi %sign3A_147, %sign3A_150 : i32
    %ne3A = vector.broadcast %sign3A_151 : i32 to vector<50x1000xi32>
    %ne3A_152 = arith.cmpi ne, %sign3A_144, %ne3A : vector<50x1000xi32>
    %rem3A = vector.broadcast %jit3A_134 : i32 to vector<50x1000xi32>
    %rem3A_153 = arith.remsi %iota3A_132, %rem3A : vector<50x1000xi32>
    %ne3A_154 = arith.constant 0 : i32
    %ne3A_155 = vector.broadcast %ne3A_154 : i32 to vector<50x1000xi32>
    %ne3A_156 = arith.cmpi ne, %rem3A_153, %ne3A_155 : vector<50x1000xi32>
    %and3A = arith.andi %ne3A_152, %ne3A_156 : vector<50x1000xi1>
    %sub3A = arith.constant 1 : i32
    %sub3A_157 = vector.broadcast %sub3A : i32 to vector<50x1000xi32>
    %sub3A_158 = arith.subi %div3A_136, %sub3A_157 : vector<50x1000xi32>
    %select_n3A_159 = arith.select %and3A, %sub3A_158, %div3A_136 : vector<50x1000xi1>, vector<50x1000xi32>
    %jit3A_160 = arith.constant 10 : i32
    %eq3A_161 = arith.constant 0 : i32
    %eq3A_162 = arith.cmpi eq, %jit3A_160, %eq3A_161 : i32
    %jit3A_163 = arith.constant 1 : i32
    %select_n3A_164 = arith.select %eq3A_162, %jit3A_163, %jit3A_160 : i32
    %rem3A_165 = vector.broadcast %select_n3A_164 : i32 to vector<50x1000xi32>
    %rem3A_166 = arith.remsi %iota3A_132, %rem3A_165 : vector<50x1000xi32>
    %ne3A_167 = arith.constant 0 : i32
    %ne3A_168 = vector.broadcast %ne3A_167 : i32 to vector<50x1000xi32>
    %ne3A_169 = arith.cmpi ne, %rem3A_166, %ne3A_168 : vector<50x1000xi32>
    %lt3A = arith.constant 0 : i32
    %lt3A_170 = vector.broadcast %lt3A : i32 to vector<50x1000xi32>
    %lt3A_171 = arith.cmpi slt, %rem3A_166, %lt3A_170 : vector<50x1000xi32>
    %lt3A_172 = arith.constant 0 : i32
    %lt3A_173 = arith.cmpi slt, %select_n3A_164, %lt3A_172 : i32
    %ne3A_174 = vector.broadcast %lt3A_173 : i1 to vector<50x1000xi1>
    %ne3A_175 = vector.broadcast %ne3A_174 : vector<50x1000xi1> to vector<50x1000xi1>
    %ne3A_176 = arith.xori %lt3A_171, %ne3A_175 : vector<50x1000xi1>
    %and3A_177 = arith.andi %ne3A_176, %ne3A_169 : vector<50x1000xi1>
    %add3A = vector.broadcast %select_n3A_164 : i32 to vector<50x1000xi32>
    %add3A_178 = arith.addi %rem3A_166, %add3A : vector<50x1000xi32>
    %select_n3A_179 = arith.select %and3A_177, %add3A_178, %rem3A_166 : vector<50x1000xi1>, vector<50x1000xi32>
    %broadcast_in_dim3A_180 = arith.constant 0 : i32
    %broadcast_in_dim3A_181 = vector.broadcast %broadcast_in_dim3A_180 : i32 to vector<50x1000xi32>
    %eq3A_182 = arith.constant 0 : i32
    %eq3A_183 = vector.broadcast %eq3A_182 : i32 to vector<50x1000xi32>
    %eq3A_184 = arith.cmpi eq, %select_n3A_159, %eq3A_183 : vector<50x1000xi32>
    %broadcast_in_dim3A_185 = vector.broadcast %reduce_min3A_32 : i32 to vector<50x1000xi32>
    %select_n3A_186 = arith.select %eq3A_184, %broadcast_in_dim3A_185, %broadcast_in_dim3A_181 : vector<50x1000xi1>, vector<50x1000xi32>
    %eq3A_187 = arith.constant 1 : i32
    %eq3A_188 = vector.broadcast %eq3A_187 : i32 to vector<50x1000xi32>
    %eq3A_189 = arith.cmpi eq, %select_n3A_159, %eq3A_188 : vector<50x1000xi32>
    %broadcast_in_dim3A_190 = vector.broadcast %reduce_min3A_55 : i32 to vector<50x1000xi32>
    %select_n3A_191 = arith.select %eq3A_189, %broadcast_in_dim3A_190, %select_n3A_186 : vector<50x1000xi1>, vector<50x1000xi32>
    %eq3A_192 = arith.constant 2 : i32
    %eq3A_193 = vector.broadcast %eq3A_192 : i32 to vector<50x1000xi32>
    %eq3A_194 = arith.cmpi eq, %select_n3A_159, %eq3A_193 : vector<50x1000xi32>
    %broadcast_in_dim3A_195 = vector.broadcast %reduce_min3A_79 : i32 to vector<50x1000xi32>
    %select_n3A_196 = arith.select %eq3A_194, %broadcast_in_dim3A_195, %select_n3A_191 : vector<50x1000xi1>, vector<50x1000xi32>
    %eq3A_197 = arith.constant 3 : i32
    %eq3A_198 = vector.broadcast %eq3A_197 : i32 to vector<50x1000xi32>
    %eq3A_199 = arith.cmpi eq, %select_n3A_159, %eq3A_198 : vector<50x1000xi32>
    %broadcast_in_dim3A_200 = vector.broadcast %reduce_min3A_103 : i32 to vector<50x1000xi32>
    %select_n3A_201 = arith.select %eq3A_199, %broadcast_in_dim3A_200, %select_n3A_196 : vector<50x1000xi1>, vector<50x1000xi32>
    %eq3A_202 = arith.constant 4 : i32
    %eq3A_203 = vector.broadcast %eq3A_202 : i32 to vector<50x1000xi32>
    %eq3A_204 = arith.cmpi eq, %select_n3A_159, %eq3A_203 : vector<50x1000xi32>
    %broadcast_in_dim3A_205 = vector.broadcast %reduce_min3A_127 : i32 to vector<50x1000xi32>
    %select_n3A_206 = arith.select %eq3A_204, %broadcast_in_dim3A_205, %select_n3A_201 : vector<50x1000xi1>, vector<50x1000xi32>
    %mul3A_207 = arith.constant 10 : i32
    %mul3A_208 = vector.broadcast %mul3A_207 : i32 to vector<50x1000xi32>
    %mul3A_209 = arith.muli %select_n3A_206, %mul3A_208 : vector<50x1000xi32>
    %add3A_210 = arith.addi %mul3A_209, %select_n3A_179 : vector<50x1000xi32>
    %eq3A_211 = arith.cmpi eq, %iota3A_133, %add3A_210 : vector<50x1000xi32>
    %convert_element_type3A = arith.extui %eq3A_211 : vector<50x1000xi1> to vector<50x1000xi32>
    %convert_element_type3A_212 = arith.sitofp %convert_element_type3A : vector<50x1000xi32> to vector<50x1000xf32>
    %get3A_213 = arith.constant 0 : index
    %get3A_214 = arith.constant 0 : index
    %get3A_215 = vector.load %arg3[%get3A_213, %get3A_214] : memref<1000x1024xf32, #tpu.memory_space<vmem>>, vector<1000x1024xf32>
    %dot_general3A_216 = arith.constant dense<0.000000e+00> : vector<50x1024xf32>
    %dot_general3A_217 = tpu.matmul %convert_element_type3A_212, %get3A_215, %dot_general3A_216 {dimension_numbers = #tpu.dot_dimension_numbers<[1], [0], [0], [1], [0, 0, 1, 1], [], []>, transpose_lhs_hint = false} : vector<50x1000xf32>, vector<1000x1024xf32>, vector<50x1024xf32> -> vector<50x1024xf32>
    %swap3A_218 = arith.constant 0 : index
    %swap3A_219 = arith.constant 0 : index
    %swap3A_220 = vector.load %arg7[%swap3A_218, %swap3A_219] : memref<56x1024xf32, #tpu.memory_space<vmem>>, vector<50x1024xf32>
    tpu.vector_store %arg7[%swap3A_218, %swap3A_219], %dot_general3A_217 {strides = array<i32>} : memref<56x1024xf32, #tpu.memory_space<vmem>>, vector<50x1024xf32>,
    %dma_start3A = arith.constant 0 : i32
    %dma_start3A_221 = arith.constant 0 : i32
    %dma_start3A_222 = tpu.memref_slice %arg5[%arg0, %dma_start3A, %dma_start3A_221] : memref<4x2098x1024xf32, #tpu.memory_space<any>> -> memref<1x48x1024xf32, #tpu.memory_space<any>>
    %dma_start3A_223 = tpu.memref_squeeze %dma_start3A_222 : memref<1x48x1024xf32, #tpu.memory_space<any>> -> memref<48x1024xf32, #tpu.memory_space<any>>
    %dma_start3A_224 = arith.constant 0 : i32
    %dma_start3A_225 = arith.constant 0 : i32
    %dma_start3A_226 = tpu.memref_slice %arg7[%dma_start3A_224, %dma_start3A_225] : memref<56x1024xf32, #tpu.memory_space<vmem>> -> memref<48x1024xf32, #tpu.memory_space<vmem>>
    tpu.enqueue_dma source(%dma_start3A_226 : memref<48x1024xf32, #tpu.memory_space<vmem>>) target(%dma_start3A_223 : memref<48x1024xf32, #tpu.memory_space<any>>) target_semaphore(%arg8 : memref<!tpu.dma_semaphore, #tpu.memory_space<semaphore_mem>>)
    %dma_start3A_227 = arith.constant 48 : i32
    %dma_start3A_228 = arith.constant 0 : i32
    %dma_start3A_229 = tpu.memref_slice %arg5[%arg0, %dma_start3A_227, %dma_start3A_228] : memref<4x2098x1024xf32, #tpu.memory_space<any>> -> memref<1x2x1024xf32, #tpu.memory_space<any>>
    %dma_start3A_230 = tpu.memref_squeeze %dma_start3A_229 : memref<1x2x1024xf32, #tpu.memory_space<any>> -> memref<2x1024xf32, #tpu.memory_space<any>>
    %dma_start3A_231 = arith.constant 48 : i32
    %dma_start3A_232 = arith.constant 0 : i32
    %dma_start3A_233 = tpu.memref_slice %arg7[%dma_start3A_231, %dma_start3A_232] : memref<56x1024xf32, #tpu.memory_space<vmem>> -> memref<2x1024xf32, #tpu.memory_space<vmem>>
    tpu.enqueue_dma source(%dma_start3A_233 : memref<2x1024xf32, #tpu.memory_space<vmem>>) target(%dma_start3A_230 : memref<2x1024xf32, #tpu.memory_space<any>>) target_semaphore(%arg8 : memref<!tpu.dma_semaphore, #tpu.memory_space<semaphore_mem>>)
    %dma_wait3A = arith.constant 0 : i32
    %dma_wait3A_234 = arith.constant 0 : i32
    %dma_wait3A_235 = tpu.memref_slice %arg5[%arg0, %dma_wait3A, %dma_wait3A_234] : memref<4x2098x1024xf32, #tpu.memory_space<any>> -> memref<1x48x1024xf32, #tpu.memory_space<any>>
    %dma_wait3A_236 = tpu.memref_squeeze %dma_wait3A_235 : memref<1x48x1024xf32, #tpu.memory_space<any>> -> memref<48x1024xf32, #tpu.memory_space<any>>
    %dma_wait3A_237 = arith.constant 0 : i32
    %dma_wait3A_238 = arith.constant 0 : i32
    %dma_wait3A_239 = tpu.memref_slice %arg7[%dma_wait3A_237, %dma_wait3A_238] : memref<56x1024xf32, #tpu.memory_space<vmem>> -> memref<48x1024xf32, #tpu.memory_space<vmem>>
    tpu.wait_dma2 semaphore(%arg8 : memref<!tpu.dma_semaphore, #tpu.memory_space<semaphore_mem>>) src(%dma_wait3A_239 : memref<48x1024xf32, #tpu.memory_space<vmem>>) dst(%dma_wait3A_236 : memref<48x1024xf32, #tpu.memory_space<any>>)
    %dma_wait3A_240 = arith.constant 48 : i32
    %dma_wait3A_241 = arith.constant 0 : i32
    %dma_wait3A_242 = tpu.memref_slice %arg5[%arg0, %dma_wait3A_240, %dma_wait3A_241] : memref<4x2098x1024xf32, #tpu.memory_space<any>> -> memref<1x2x1024xf32, #tpu.memory_space<any>>
    %dma_wait3A_243 = tpu.memref_squeeze %dma_wait3A_242 : memref<1x2x1024xf32, #tpu.memory_space<any>> -> memref<2x1024xf32, #tpu.memory_space<any>>
    %dma_wait3A_244 = arith.constant 48 : i32
    %dma_wait3A_245 = arith.constant 0 : i32
    %dma_wait3A_246 = tpu.memref_slice %arg7[%dma_wait3A_244, %dma_wait3A_245] : memref<56x1024xf32, #tpu.memory_space<vmem>> -> memref<2x1024xf32, #tpu.memory_space<vmem>>
    tpu.wait_dma2 semaphore(%arg8 : memref<!tpu.dma_semaphore, #tpu.memory_space<semaphore_mem>>) src(%dma_wait3A_246 : memref<2x1024xf32, #tpu.memory_space<vmem>>) dst(%dma_wait3A_243 : memref<2x1024xf32, #tpu.memory_space<any>>)
    return
  }
  func.func @transform_1(%arg0: i32) -> (i32, i32, i32) {
    %c0_i32 = arith.constant 0 : i32
    %c0_i32_0 = arith.constant 0 : i32
    %c0_i32_1 = arith.constant 0 : i32
    return %arg0, %c0_i32, %c0_i32_0 : i32, i32, i32
  }
  func.func @transform_2(%arg0: i32) -> (i32, i32) {
    %c0_i32 = arith.constant 0 : i32
    %c0_i32_0 = arith.constant 0 : i32
    %c0_i32_1 = arith.constant 0 : i32
    return %c0_i32, %c0_i32_0 : i32, i32
  }
  func.func @transform_3(%arg0: i32) -> (i32, i32) {
    %c0_i32 = arith.constant 0 : i32
    %c0_i32_0 = arith.constant 0 : i32
    %c0_i32_1 = arith.constant 0 : i32
    return %c0_i32, %c0_i32_0 : i32, i32
  }
  func.func @transform_5(%arg0: i32) -> (i32, i32, i32) {
    %c0_i32 = arith.constant 0 : i32
    %c0_i32_0 = arith.constant 0 : i32
    %c0_i32_1 = arith.constant 0 : i32
    return %arg0, %c0_i32, %c0_i32_0 : i32, i32, i32
  }
}

</mosaic_0001>

<sc_bundles>
// kernel: kernel.5.cloned.1.call-start
scs
__scs_entry_jumppad:
0x0: {  	(pc) =	sbr.rel $0x88, $3  }
0x1: {  	(tag) =	ssettag $0x0;
	lr =	simm.s32 $0x1  }
0x2: {  	[smem:$0x3F9E] =	sst lr;
	_ =	strace $0xD0000000  }
0x3: {  	_ = 	snop  }
0x4: {  	_ = 	snop  }
0x5: {  	_ = 	snop  }
0x6: {  	_ = 	snop  }
0x7: {  	_ = 	snop  }
__scs_overlays_trampoline_lowered:
0x8: {  	[smem:$0x3FAD] =	sst s0  }
0x9: {  	[smem:$0x3FAE] =	sst s1  }
0xa: {  	[smem:$0x3FAF] =	sst s2  }
0xb: {  	[smem:$0x3FB0] =	sst s3  }
0xc: {  	[smem:$0x3FB1] =	sst s4  }
0xd: {  	[smem:$0x3FB2] =	sst s5  }
0xe: {  	[smem:$0x3FB3] =	sst s6  }
0xf: {  	[smem:$0x3FB4] =	sst s7  }
0x10: {  	[smem:$0x3FB5] =	sst s8  }
0x11: {  	[smem:$0x3FB6] =	sst s9;
	s0 =	simm.s32 @!p0 $0x0  }
0x12: {  	s1 =	sld [smem:$0x3F9C];
	s0 =	simm.s32 @p0 $0x1  }
0x13: {  	[smem:$0x3FB7] =	sst s0;
	s0 =	simm.s32 @!p1 $0x0  }
0x14: {  	s2 =	sld [smem:$0x3F9B];
	s0 =	simm.s32 @p1 $0x1  }
0x15: {  	[smem:$0x3FB8] =	sst s0;
	s0 =	simm.s32 @!p2 $0x0  }
0x16: {  	s3 =	sld [smem:$0x3FDB];
	s0 =	simm.s32 @p2 $0x1  }
0x17: {  	s4 =	simm.s32 $0x1BF5;
	[smem:$0x3FBA] =	sst s0  }
0x18: {  	s0 =	sld [smem:$0x3F9D];
	_ =	swait.ge [sflag:s4], $0x0  }
0x19: {  	s7 =	sld [smem:$0x3F9E]  }
0x1a: {  	s8 =	sadd.s32 $0xFFFFE003, lr  }
0x1b: {  	s9 =	sadd.s32 $0xFFFFFEF7, lr;
	s5 =	simm.s32 $0xFFFFFFFF;
	p2 =	slt.u32 s8, $0xFFFFF086  }
0x1c: {  	p1 =	slt.u32 s9, $0xF7A;
	s5 =	simm.s32 @!p2 $0x0  }
0x1d: {  	s5 =	simm.s32 @p1 $0x1;
	p0 =	seq.s32 s7, s2  }
0x1e: {  	s7 =	smul.u32 @!p0 $0xF7A, s2;
	p2 =	seq.s32 @!p0 s5, $0x0  }
0x1f: {  	s9 =	smul.u32 $0xF7A, s1;
	s8 =	simm.s32 @!p0 $0x1BF5;
	p2 =	por !p2, p0  }
0x20: {  	[sflag:s8] =	ssyncset.s32 @!p0 $0xFFFFF086;
	s6 =	sadd.s32 @!p0 s3, s7;
	s7 =	simm.s32 @!p0 $0x108  }
0x21: {  	s3 =	sadd.s32 s3, s9;
	s6 =	sadd.s32 @!p0 $0x88, s6;
	s7 =	simm.s32 @p2 $0x1082  }
0x22: {  	[simem:s7], [sflag:s8] =	dma.local @!p0 [hbm:s6], $0xF7A  }
0x23: {  	s9 =	sor.u32 $0xD0000000, s2;
	s6 =	simm.s32 $0x108;
	_ =	swait.ge @!p0 [sflag:s8], $0x0  }
0x24: {  	s3 =	sadd.s32 $0x88, s3;
	s6 =	simm.s32 @!p1 $0x1082;
	[sflag:s4] =	ssyncset.s32 $0xFFFFF086  }
0x25: {  	[simem:s6], [sflag:s4] =	dma.local [hbm:s3], $0xF7A  }
0x26: {  	[smem:$0x3F9E] =	sst s1;
	(tag) =	ssettag s2;
	_ =	strace s9  }
0x27: {  	s1 =	sld [smem:$0x3FAE]  }
0x28: {  	s2 =	sld [smem:$0x3FAF]  }
0x29: {  	s4 =	sld [smem:$0x3FB1]  }
0x2a: {  	p0 =	seq.s32 s5, $0x0;
	s5 =	sld [smem:$0x3FB2]  }
0x2b: {  	s6 =	sld [smem:$0x3FB3]  }
0x2c: {  	s7 =	sld [smem:$0x3FB4]  }
0x2d: {  	s3 =	simm.s32 $0x108;
	s8 =	sld [smem:$0x3FB5]  }
0x2e: {  	s3 =	simm.s32 @!p0 $0x1082;
	s9 =	sld [smem:$0x3FB6]  }
0x2f: {  	lr =	sadd.s32 s0, s3;
	s0 =	sld [smem:$0x3FAD]  }
0x30: {  	s3 =	sld [smem:$0x3FB0]  }
0x31: {  	[smem:$0x3FB9] =	sst s10  }
0x32: {  	s10 =	sld [smem:$0x3FB7];
	_ =	sdelay $0x3  }
0x33: {  	p0 =	seq.s32 s10, $0x1;
	s10 =	sld [smem:$0x3FB9];
	_ =	sdelay $0x3  }
0x34: {  	[smem:$0x3FB9] =	sst s10  }
0x35: {  	s10 =	sld [smem:$0x3FB8];
	_ =	sdelay $0x3  }
0x36: {  	p1 =	seq.s32 s10, $0x1;
	s10 =	sld [smem:$0x3FB9];
	_ =	sdelay $0x3  }
0x37: {  	[smem:$0x3FB9] =	sst s10  }
0x38: {  	s10 =	sld [smem:$0x3FBA]  }
0x39: {  	_ = 	snop;
	(pc) =	sbr.ind lr, $3  }
0x3a: {  	_ = 	snop  }
0x3b: {  	_ = 	snop  }
0x3c: {  	p2 =	seq.s32 s10, $0x1;
	s10 =	sld [smem:$0x3FB9]  }
0x3d: {  	_ =	shalt  }
0x3e: {  	_ =	shalt  }
0x3f: {  	_ =	shalt  }
0x40: {  	_ =	shalt  }
0x41: {  	_ =	shalt  }
0x42: {  	_ =	shalt  }
0x43: {  	_ =	shalt  }
0x44: {  	_ =	shalt  }
0x45: {  	_ =	shalt  }
0x46: {  	_ =	shalt  }
0x47: {  	_ =	shalt  }
0x48: {  	_ =	shalt  }
0x49: {  	_ =	shalt  }
0x4a: {  	_ =	shalt  }
0x4b: {  	_ =	shalt  }
0x4c: {  	_ =	shalt  }
0x4d: {  	_ =	shalt  }
0x4e: {  	_ =	shalt  }
0x4f: {  	_ =	shalt  }
0x50: {  	_ =	shalt  }
0x51: {  	_ =	shalt  }
0x52: {  	_ =	shalt  }
0x53: {  	_ =	shalt  }
0x54: {  	_ =	shalt  }
0x55: {  	_ =	shalt  }
0x56: {  	_ =	shalt  }
0x57: {  	_ =	shalt  }
0x58: {  	_ =	shalt  }
0x59: {  	_ =	shalt  }
0x5a: {  	_ =	shalt  }
0x5b: {  	_ =	shalt  }
0x5c: {  	_ =	shalt  }
0x5d: {  	_ =	shalt  }
0x5e: {  	_ =	shalt  }
0x5f: {  	_ =	shalt  }
0x60: {  	_ =	shalt  }
0x61: {  	_ =	shalt  }
0x62: {  	_ =	shalt  }
0x63: {  	_ =	shalt  }
0x64: {  	_ =	shalt  }
0x65: {  	_ =	shalt  }
0x66: {  	_ =	shalt  }
0x67: {  	_ =	shalt  }
0x68: {  	_ =	shalt  }
0x69: {  	_ =	shalt  }
0x6a: {  	_ =	shalt  }
0x6b: {  	_ =	shalt  }
0x6c: {  	_ =	shalt  }
0x6d: {  	_ =	shalt  }
0x6e: {  	_ =	shalt  }
0x6f: {  	_ =	shalt  }
0x70: {  	_ =	shalt  }
0x71: {  	_ =	shalt  }
0x72: {  	_ =	shalt  }
0x73: {  	_ =	shalt  }
0x74: {  	_ =	shalt  }
0x75: {  	_ =	shalt  }
0x76: {  	_ =	shalt  }
0x77: {  	_ =	shalt  }
0x78: {  	_ =	shalt  }
0x79: {  	_ =	shalt  }
0x7a: {  	_ =	shalt  }
0x7b: {  	_ =	shalt  }
0x7c: {  	_ =	shalt  }
0x7d: {  	_ =	shalt  }
0x7e: {  	_ =	shalt  }
0x7f: {  	_ =	shalt  }
0x80: {  	_ =	shalt  }
0x81: {  	_ =	shalt  }
0x82: {  	_ =	shalt  }
0x83: {  	_ =	shalt  }
0x84: {  	_ =	shalt  }
0x85: {  	_ =	shalt  }
0x86: {  	_ =	shalt  }
0x87: {  	_ =	shalt  }
.Lfunc_end0:
.L_simem_size_0:
called_computation.1_lowered:
.L_overlay_start_0:
0x88: {  	s2 =	sld [smem:$0x3FD9]  }
0x89: {  	s3 =	sld [smem:$0x3FFE];
	_ =	sdelay $0x1  }
0x8a: {  	s1 =	srdreg.scid  }
0x8b: {  	s0 =	sand.u32 $0x1, s1  }
0x8c: {  	s14 =	sshll.u32 s0, $0xA;
	s2 =	sadd.s32 s3, s2  }
0x8d: {  	s2 =	sadd.s32 s2, s14  }
0x8e: {  	[smem:$0x3FC5] =	sst s2  }
0x8f: {  	_ = 	snop  }
0x90: {  	s2 =	sld [smem:$0x3FD0];
	_ =	sdelay $0x2  }
0x91: {  	s15 =	simm.s32 $0xA;
	s4 =	simm.s32 $0x10  }
0x92: {  	[smem:s4], [sflag:s15] =	dma.local [hbm:s2], $0x1  }
0x93: {  	_ =	swait.eq [sflag:s15], $0x1  }
0x94: {  	[sflag:s15] =	ssyncset.done $0x0  }
0x95: {  	[sflag:s15] =	ssyncadd.s32 $0xFFFFFFFF  }
0x96: {  	s16 =	sld [smem:$0x10];
	(tm) =	ssettm $0x1  }
0x97: {  	s17 =	sld [smem:$0x3FFB];
	_ =	sdelay $0x3  }
0x98: {  	_ =	strace s17  }
0x99: {  	s3 =	sld [smem:$0x3FFC];
	_ =	sdelay $0x3  }
0x9a: {  	_ =	strace s3  }
0x9b: {  	s3 =	sld [smem:$0x3FFD];
	_ =	sdelay $0x3  }
0x9c: {  	_ =	strace s3  }
0x9d: {  	_ =	strace $0x8FFFFFFF  }
0x9e: {  	s18 =	sld [smem:$0x3FDB];
	_ =	sdelay $0x1  }
0x9f: {  	s19 =	simm.s32 $_scs_section_size  }
0xa0: {  	s5 =	simm.s32 $_size__tile_overlayer_lowered;
	s6 =	simm.s32 $_tile_overlayer_lowered  }
0xa1: {  	s22 =	simm.s32 $0x1BFF;
	s21 =	sshll.u32 s6, $0x1;
	s3 =	sadd.s32 s19, s18  }
0xa2: {  	s7 =	simm.s32 $0x0;
	s20 =	sshll.u32 s5, $0x1;
	s5 =	sadd.s32 s21, s3  }
0xa3: {  	[timem:s7], [sflag:s22] =	dma.local [hbm:s5], s20  }
0xa4: {  	_ =	swait.ge [sflag:s22], s20  }
0xa5: {  	s4 =	ssub.s32 $0x0, s20;
	[sflag:s22] =	ssyncset.done $0x0  }
0xa6: {  	[sflag:s22] =	ssyncadd.s32 s4;
	_ =	sdelay $0x1  }
0xa7: {  	s23 =	simm.s32 $0x1B8B  }
0xa8: {  	_ =	swait.ge [sflag:s23], $0x1  }
0xa9: {  	[sflag:s23] =	ssyncset.done $0x0  }
0xaa: {  	s25 =	simm.s32 $0x1B8E;
	s24 =	sld [smem:$0x3FFE];
	[sflag:s23] =	ssyncadd.s32 $0xFFFFFFFF  }
0xab: {  	s26 =	simm.s32 $execute0_lowered;
	[smem:$0x3FD2] =	sst s25  }
0xac: {  	s5 =	sshll.u32 s26, $0x1;
	_ =	strace $0x80000049;
	[dreg:$0x1] =	wrdreg $0xFFFFFFFF  }
0xad: {  	s28 =	simm.s32 $_size_execute0_lowered;
	s3 =	sadd.s32 s3, s5;
	[dreg:$0x0] =	wrdreg $0x0  }
0xae: {  	s5 =	sshll.u32 s28, $0x1;
	[dreg:$0x2] =	wrdreg s3  }
0xaf: {  	[dreg:$0x3] =	wrdreg s5  }
0xb0: {  	[dreg:$0x4] =	wrdreg $0xC0  }
0xb1: {  	_ =	task [dreg:s7], $0x5FFFF  }
0xb2: {  	[dreg:$0x1] =	wrdreg $0xFFFFFFFF  }
0xb3: {  	[dreg:$0x0] =	wrdreg $0x60  }
0xb4: {  	[dreg:$0x2] =	wrdreg s24  }
0xb5: {  	[dreg:$0x3] =	wrdreg s16  }
0xb6: {  	[dreg:$0x4] =	wrdreg $0x9  }
0xb7: {  	_ =	task.clear_ibuf [dreg:s7], $0x5FFFF;
	_ =	strace $0x90000049  }
0xb8: {  	s29 =	simm.s32 $0x9;
	_ =	strace $0x8000004B  }
0xb9: {  	_ =	swait.ge [sflag:s29], $0x1  }
0xba: {  	[sflag:s29] =	ssyncadd.s32 $0xFFFFFFFF  }
0xbb: {  	_ =	strace $0x9000004B  }
0xbc: {  	_ =	sfence  }
0xbd: {  	s30 =	sld [smem:$0x0];
	_ =	sdelay $0x2  }
0xbe: {  	s31 =	sshll.u32 s1, $0xD;
	s1 =	sshrl.u32 s1, $0x2  }
0xbf: {  	s3 =	sand.u32 $0x4000, s31;
	s1 =	sadd.s32 s1, s30  }
0xc0: {  	s0 =	sor.u32 s3, s0;
	s1 =	sshll.u32 s1, $0x11  }
0xc1: {  	s0 =	sor.u32 s1, s0  }
0xc2: {  	s0 =	sadd.s32 $0x8F2B, s0  }
0xc3: {  	[sflag:s0] =	ssyncadd.remote.s32 $0x1  }
0xc4: {  	_ =	sfence.sel $0xFFFF  }
0xc5: {  	[dreg:$0x0] =	wrdreg $0xFFFFFFFF;
	(pc) =	sbr.abs _section_cstart, $3  }
0xc6: {  	[dreg:$0x1] =	wrdreg $0xFFFFFFFF  }
0xc7: {  	_ =	task.clear_ibuf [dreg:s7], $0x2FFFF;
	_ =	strace $0x9FFFFFFF  }
0xc8: {  	(tm) =	ssettm $0x7FFFFFFF  }
0xc9: {  	_ =	shalt  }
tec
execute0_lowered:
.L_overlay_start_1:
0x0: {  	(tag) =	ssettag $0x1  }
0x1: {  	s2 =	stileid.u32  }
0x2: {  	s0 =	srdreg.scid;
	s1 =	sshll.u32 s2, $0x1  }
0x3: {  	s29 =	sand.u32 $0x1, s0;
	s22 =	sand.u32 $0x6, s1  }
0x4: {  	s3 =	rddreg [dreg:$0x0];
	s4 =	sshrl.u32 s2, $0x2;
	s0 =	sor.u32 s29, s22  }
0x5: {  	s2 =	sshll.u32 s4, $0x15;
	s30 =	smul.u32 $0x20C800, s4;
	s5 =	sshll.u32 s0, $0x12  }
0x6: {  	s9 =	sadd.s32 $0x1400, s3;
	s8 =	sor.u32 s5, s2  }
0x7: {  	s1 =	rddreg [dreg:$0x1];
	s5 =	sadd.s32 s5, s30;
	s6 =	sadd.s32 $0xFFFFE000, s8  }
0x8: {  	s2 =	simm.s32 $0x0;
	s25 =	sshrl.u32 s5, $0x3;
	s23 =	sshrl.u32 s6, $0x3  }
0x9: {  	[smem:$0x7FF] =	sst s2;
	s28 =	sadd.s32 s1, s25;
	s3 =	sadd.s32 s9, s23  }
0xa: {  	_ =	strace $0x8000004A;
	s26 =	sadd.s32 $0x1800, s28;
	[dreg:$0x3] =	wrdreg s3  }
0xb: {  	s24 =	sshll.u32 s4, $0x12;
	[dreg:$0x5] =	wrdreg s26  }
0xc: {  	p0 =	sne.s32 s0, $0x0;
	s3 =	sadd.s32 s9, s24;
	s5 =	rddreg [dreg:$0x3]  }
0xd: {  	s4 =	simm.s32 @p0 $0x3;
	[dreg:$0x4] =	wrdreg s3;
	s3 =	simm.s32 @p0 $0x0  }
0xe: {  	[tilespmem:s3], [sflag:$0x3] =	stream.linear.gather @p0 [hbm4b:s5+s3], $0xA000, $0x38;
	[tilespmem:$0x14000] =	vst v63  }
0xf: {  	_ =	swait.ge @p0 [sflag:s4], $0xA000  }
0x10: {  	s6 =	simm.s32 @!p0 $0x2000;
	s5 =	simm.s32 @!p0 $0x3;
	[sflag:s4] =	ssyncset.done @p0 $0x0  }
0x11: {  	s3 =	simm.s32 @!p0 $0x0;
	s10 =	rddreg [dreg:$0x4];
	[sflag:s4] =	ssyncadd.s32 @p0 $0xFFFF6000  }
0x12: {  	[tilespmem:s6], [sflag:$0x3] =	stream.linear.gather @!p0 [hbm4b:s10+s3], $0x8000, $0x38;
	[tilespmem:$0x14000] =	vst v63  }
0x13: {  	s8 =	sshrl.u32 s8, $0x3;
	_ =	swait.ge @!p0 [sflag:s5], $0x8000  }
0x14: {  	s26 =	sadd.s32 s8, s9;
	[sflag:s5] =	ssyncset.done @!p0 $0x0  }
0x15: {  	s8 =	simm.s32 $0x1800;
	s3 =	rddreg [dreg:$0x5];
	[sflag:s5] =	ssyncadd.s32 @!p0 $0xFFFF8000  }
0x16: {  	[hbm4b:s3+s2] =	stream.linear.scatter [tilespmem:s8], [sflag:$0x1], $0x8000, $0x38;
	[tilespmem:$0x14000] =	vst v63  }
0x17: {  	s11 =	simm.s32 $0x3;
	s9 =	sadd.s32 $0xC00, s26;
	s10 =	simm.s32 $0xA000  }
0x18: {  	[tilespmem:s10], [sflag:$0x3] =	stream.linear.gather [hbm4b:s9+s2], $0xA000, $0x38;
	[tilespmem:$0x14000] =	vst v63  }
0x19: {  	_ =	swait.ge [sflag:s11], $0xA000  }
0x1a: {  	s13 =	simm.s32 $0xB800;
	[sflag:s11] =	ssyncset.done $0x0  }
0x1b: {  	s14 =	simm.s32 $0x1;
	s12 =	sadd.s32 $0x2800, s28;
	[sflag:s11] =	ssyncadd.s32 $0xFFFF6000  }
0x1c: {  	[hbm4b:s12+s2] =	stream.linear.scatter [tilespmem:s13], [sflag:$0x2], $0x8000, $0x38;
	[tilespmem:$0x14000] =	vst v63  }
0x1d: {  	_ =	swait.ge [sflag:s14], $0x8000  }
0x1e: {  	[sflag:s14] =	ssyncset.done $0x0  }
0x1f: {  	s15 =	sadd.s32 $0x1C00, s26;
	[sflag:s14] =	ssyncadd.s32 $0xFFFF8000  }
0x20: {  	[tilespmem:s2], [sflag:$0x3] =	stream.linear.gather [hbm4b:s15+s2], $0xA000, $0x38;
	[tilespmem:$0x14000] =	vst v63  }
0x21: {  	_ =	swait.ge [sflag:s11], $0xA000  }
0x22: {  	[sflag:s11] =	ssyncset.done $0x0  }
0x23: {  	s17 =	simm.s32 $0x2;
	s16 =	sadd.s32 $0x3800, s28;
	[sflag:s11] =	ssyncadd.s32 $0xFFFF6000  }
0x24: {  	[hbm4b:s16+s2] =	stream.linear.scatter [tilespmem:s8], [sflag:$0x1], $0x8000, $0x38;
	[tilespmem:$0x14000] =	vst v63  }
0x25: {  	_ =	swait.ge [sflag:s17], $0x8000  }
0x26: {  	[sflag:s17] =	ssyncset.done $0x0  }
0x27: {  	s18 =	sadd.s32 $0x2C00, s26;
	[sflag:s17] =	ssyncadd.s32 $0xFFFF8000  }
0x28: {  	[tilespmem:s10], [sflag:$0x3] =	stream.linear.gather [hbm4b:s18+s2], $0xA000, $0x38;
	[tilespmem:$0x14000] =	vst v63  }
0x29: {  	_ =	swait.ge [sflag:s11], $0xA000  }
0x2a: {  	[sflag:s11] =	ssyncset.done $0x0  }
0x2b: {  	s19 =	sadd.s32 $0x4800, s28;
	[sflag:s11] =	ssyncadd.s32 $0xFFFF6000  }
0x2c: {  	[hbm4b:s19+s2] =	stream.linear.scatter [tilespmem:s13], [sflag:$0x2], $0x8000, $0x38;
	[tilespmem:$0x14000] =	vst v63  }
0x2d: {  	_ =	swait.ge [sflag:s14], $0x8000  }
0x2e: {  	[sflag:s14] =	ssyncset.done $0x0  }
0x2f: {  	s20 =	sadd.s32 $0x3C00, s26;
	[sflag:s14] =	ssyncadd.s32 $0xFFFF8000  }
0x30: {  	[tilespmem:s2], [sflag:$0x3] =	stream.linear.gather [hbm4b:s20+s2], $0xA000, $0x38;
	[tilespmem:$0x14000] =	vst v63  }
0x31: {  	_ =	swait.ge [sflag:s11], $0xA000  }
0x32: {  	[sflag:s11] =	ssyncset.done $0x0  }
0x33: {  	s21 =	sadd.s32 $0x5800, s28;
	[sflag:s11] =	ssyncadd.s32 $0xFFFF6000  }
0x34: {  	[hbm4b:s21+s2] =	stream.linear.scatter [tilespmem:s8], [sflag:$0x1], $0x8000, $0x38;
	[tilespmem:$0x14000] =	vst v63  }
0x35: {  	_ =	swait.ge [sflag:s17], $0x8000  }
0x36: {  	[sflag:s17] =	ssyncset.done $0x0  }
0x37: {  	s22 =	sadd.s32 $0x4C00, s26;
	[sflag:s17] =	ssyncadd.s32 $0xFFFF8000  }
0x38: {  	[tilespmem:s10], [sflag:$0x3] =	stream.linear.gather [hbm4b:s22+s2], $0xA000, $0x38;
	[tilespmem:$0x14000] =	vst v63  }
0x39: {  	_ =	swait.ge [sflag:s11], $0xA000  }
0x3a: {  	[sflag:s11] =	ssyncset.done $0x0  }
0x3b: {  	s23 =	sadd.s32 $0x6800, s28;
	[sflag:s11] =	ssyncadd.s32 $0xFFFF6000  }
0x3c: {  	[hbm4b:s23+s2] =	stream.linear.scatter [tilespmem:s13], [sflag:$0x2], $0x8000, $0x38;
	[tilespmem:$0x14000] =	vst v63  }
0x3d: {  	_ =	swait.ge [sflag:s14], $0x8000  }
0x3e: {  	[sflag:s14] =	ssyncset.done $0x0  }
0x3f: {  	s24 =	sadd.s32 $0x5C00, s26;
	[sflag:s14] =	ssyncadd.s32 $0xFFFF8000  }
0x40: {  	[tilespmem:s2], [sflag:$0x3] =	stream.linear.gather [hbm4b:s24+s2], $0xA000, $0x38;
	[tilespmem:$0x14000] =	vst v63  }
0x41: {  	_ =	swait.ge [sflag:s11], $0xA000  }
0x42: {  	[sflag:s11] =	ssyncset.done $0x0  }
0x43: {  	s25 =	sadd.s32 $0x7800, s28;
	[sflag:s11] =	ssyncadd.s32 $0xFFFF6000  }
0x44: {  	[hbm4b:s25+s2] =	stream.linear.scatter [tilespmem:s8], [sflag:$0x1], $0x8000, $0x38;
	[tilespmem:$0x14000] =	vst v63  }
0x45: {  	_ =	swait.ge [sflag:s17], $0x8000  }
0x46: {  	[sflag:s17] =	ssyncset.done $0x0  }
0x47: {  	s26 =	sadd.s32 $0x6C00, s26;
	[sflag:s17] =	ssyncadd.s32 $0xFFFF8000  }
0x48: {  	[tilespmem:s10], [sflag:$0x3] =	stream.linear.gather [hbm4b:s26+s2], $0xA000, $0x38;
	[tilespmem:$0x14000] =	vst v63  }
0x49: {  	s29 =	ssub.s32 $0x2, s29;
	_ =	swait.ge [sflag:s11], $0xA000  }
0x4a: {  	s31 =	sshrl.u32 s29, $0x1;
	[sflag:s11] =	ssyncset.done $0x0  }
0x4b: {  	s29 =	ssub.s32 s29, s31;
	s28 =	sadd.s32 $0x8800, s28;
	[sflag:s11] =	ssyncadd.s32 $0xFFFF6000  }
0x4c: {  	[hbm4b:s28+s2] =	stream.linear.scatter [tilespmem:s13], [sflag:$0x2], $0x8000, $0x38;
	[tilespmem:$0x14000] =	vst v63  }
0x4d: {  	s30 =	sshrl.u32 s30, $0x3;
	s6 =	smax.u32 s29, $0x1;
	_ =	swait.ge [sflag:s14], $0x8000  }
0x4e: {  	s1 =	sadd.s32 s1, s30;
	s30 =	sadd.s32 $0xFFFFFFFF, s6;
	[sflag:s14] =	ssyncset.done $0x0  }
0x4f: {  	p2 =	sne.s32 s30, $0x0;
	[sflag:s14] =	ssyncadd.s32 $0xFFFF8000  }
.Ltmp0:
0x50: {  	p1 =	sne.s32 s0, $0x7;
	_ =	swait.ge [sflag:s17], $0x8000;
	(pc) =	sbr.rel @!p2 .LBB2_2-.Ltmp0, $4  }
0x51: {  	s0 =	simm.s32 @!p1 $0x13800;
	s31 =	simm.s32 @!p1 $0x3;
	[sflag:s17] =	ssyncset.done $0x0  }
0x52: {  	s29 =	sadd.s32 $0x41800, s1;
	s1 =	simm.s32 @!p1 $0x0;
	[sflag:s17] =	ssyncadd.s32 $0xFFFF8000  }
0x53: {  	[hbm4b:s29+s1] =	stream.linear.scatter @!p1 [tilespmem:s0], [sflag:$0x3], $0x800, $0x38;
	[tilespmem:$0x14000] =	vst v63  }
0x54: {  	s7 =	simm.s32 @!p0 $0x2000;
	_ =	swait.ge @!p1 [sflag:s31], $0x800  }
.LBB2_1:
0x55: {  	[sflag:s31] =	ssyncset.done @!p1 $0x0  }
0x56: {  	s3 =	rddreg [dreg:$0x3];
	s6 =	simm.s32 @p0 $0x0;
	[sflag:s31] =	ssyncadd.s32 @!p1 $0xFFFFF800  }
0x57: {  	[tilespmem:s6], [sflag:$0x3] =	stream.linear.gather @p0 [hbm4b:s3+s6], $0xA000, $0x38;
	[tilespmem:$0x14000] =	vst v63  }
0x58: {  	_ =	swait.ge @p0 [sflag:s4], $0xA000  }
0x59: {  	[sflag:s4] =	ssyncset.done @p0 $0x0  }
0x5a: {  	s6 =	simm.s32 @!p0 $0x0;
	s3 =	rddreg [dreg:$0x4];
	[sflag:s4] =	ssyncadd.s32 @p0 $0xFFFF6000  }
0x5b: {  	[tilespmem:s7], [sflag:$0x3] =	stream.linear.gather @!p0 [hbm4b:s3+s6], $0x8000, $0x38;
	[tilespmem:$0x14000] =	vst v63  }
0x5c: {  	_ =	swait.ge @!p0 [sflag:s5], $0x8000  }
0x5d: {  	[sflag:s5] =	ssyncset.done @!p0 $0x0  }
0x5e: {  	s6 =	rddreg [dreg:$0x5];
	[sflag:s5] =	ssyncadd.s32 @!p0 $0xFFFF8000  }
0x5f: {  	[hbm4b:s6+s2] =	stream.linear.scatter [tilespmem:s8], [sflag:$0x1], $0x8000, $0x38;
	[tilespmem:$0x14000] =	vst v63  }
0x60: {  	_ = 	snop  }
0x61: {  	[tilespmem:s10], [sflag:$0x3] =	stream.linear.gather [hbm4b:s9+s2], $0xA000, $0x38;
	[tilespmem:$0x14000] =	vst v63  }
0x62: {  	_ =	swait.ge [sflag:s11], $0xA000  }
0x63: {  	[sflag:s11] =	ssyncset.done $0x0  }
0x64: {  	[sflag:s11] =	ssyncadd.s32 $0xFFFF6000  }
0x65: {  	[hbm4b:s12+s2] =	stream.linear.scatter [tilespmem:s13], [sflag:$0x2], $0x8000, $0x38;
	[tilespmem:$0x14000] =	vst v63  }
0x66: {  	_ =	swait.ge [sflag:s14], $0x8000  }
0x67: {  	[sflag:s14] =	ssyncset.done $0x0  }
0x68: {  	[sflag:s14] =	ssyncadd.s32 $0xFFFF8000  }
0x69: {  	[tilespmem:s2], [sflag:$0x3] =	stream.linear.gather [hbm4b:s15+s2], $0xA000, $0x38;
	[tilespmem:$0x14000] =	vst v63  }
0x6a: {  	_ =	swait.ge [sflag:s11], $0xA000  }
0x6b: {  	[sflag:s11] =	ssyncset.done $0x0  }
0x6c: {  	[sflag:s11] =	ssyncadd.s32 $0xFFFF6000  }
0x6d: {  	[hbm4b:s16+s2] =	stream.linear.scatter [tilespmem:s8], [sflag:$0x1], $0x8000, $0x38;
	[tilespmem:$0x14000] =	vst v63  }
0x6e: {  	_ =	swait.ge [sflag:s17], $0x8000  }
0x6f: {  	[sflag:s17] =	ssyncset.done $0x0  }
0x70: {  	[sflag:s17] =	ssyncadd.s32 $0xFFFF8000  }
0x71: {  	[tilespmem:s10], [sflag:$0x3] =	stream.linear.gather [hbm4b:s18+s2], $0xA000, $0x38;
	[tilespmem:$0x14000] =	vst v63  }
0x72: {  	_ =	swait.ge [sflag:s11], $0xA000  }
0x73: {  	[sflag:s11] =	ssyncset.done $0x0  }
0x74: {  	[sflag:s11] =	ssyncadd.s32 $0xFFFF6000  }
0x75: {  	[hbm4b:s19+s2] =	stream.linear.scatter [tilespmem:s13], [sflag:$0x2], $0x8000, $0x38;
	[tilespmem:$0x14000] =	vst v63  }
0x76: {  	_ =	swait.ge [sflag:s14], $0x8000  }
0x77: {  	[sflag:s14] =	ssyncset.done $0x0  }
0x78: {  	[sflag:s14] =	ssyncadd.s32 $0xFFFF8000  }
0x79: {  	[tilespmem:s2], [sflag:$0x3] =	stream.linear.gather [hbm4b:s20+s2], $0xA000, $0x38;
	[tilespmem:$0x14000] =	vst v63  }
0x7a: {  	_ =	swait.ge [sflag:s11], $0xA000  }
0x7b: {  	[sflag:s11] =	ssyncset.done $0x0  }
0x7c: {  	[sflag:s11] =	ssyncadd.s32 $0xFFFF6000  }
0x7d: {  	[hbm4b:s21+s2] =	stream.linear.scatter [tilespmem:s8], [sflag:$0x1], $0x8000, $0x38;
	[tilespmem:$0x14000] =	vst v63  }
0x7e: {  	_ =	swait.ge [sflag:s17], $0x8000  }
0x7f: {  	[sflag:s17] =	ssyncset.done $0x0  }
0x80: {  	[sflag:s17] =	ssyncadd.s32 $0xFFFF8000  }
0x81: {  	[tilespmem:s10], [sflag:$0x3] =	stream.linear.gather [hbm4b:s22+s2], $0xA000, $0x38;
	[tilespmem:$0x14000] =	vst v63  }
0x82: {  	_ =	swait.ge [sflag:s11], $0xA000  }
0x83: {  	[sflag:s11] =	ssyncset.done $0x0  }
0x84: {  	[sflag:s11] =	ssyncadd.s32 $0xFFFF6000  }
0x85: {  	[hbm4b:s23+s2] =	stream.linear.scatter [tilespmem:s13], [sflag:$0x2], $0x8000, $0x38;
	[tilespmem:$0x14000] =	vst v63  }
0x86: {  	_ =	swait.ge [sflag:s14], $0x8000  }
0x87: {  	[sflag:s14] =	ssyncset.done $0x0  }
0x88: {  	[sflag:s14] =	ssyncadd.s32 $0xFFFF8000  }
0x89: {  	[tilespmem:s2], [sflag:$0x3] =	stream.linear.gather [hbm4b:s24+s2], $0xA000, $0x38;
	[tilespmem:$0x14000] =	vst v63  }
0x8a: {  	_ =	swait.ge [sflag:s11], $0xA000  }
0x8b: {  	[sflag:s11] =	ssyncset.done $0x0  }
0x8c: {  	[sflag:s11] =	ssyncadd.s32 $0xFFFF6000  }
0x8d: {  	[hbm4b:s25+s2] =	stream.linear.scatter [tilespmem:s8], [sflag:$0x1], $0x8000, $0x38;
	[tilespmem:$0x14000] =	vst v63  }
0x8e: {  	_ =	swait.ge [sflag:s17], $0x8000  }
0x8f: {  	[sflag:s17] =	ssyncset.done $0x0  }
0x90: {  	[sflag:s17] =	ssyncadd.s32 $0xFFFF8000  }
0x91: {  	[tilespmem:s10], [sflag:$0x3] =	stream.linear.gather [hbm4b:s26+s2], $0xA000, $0x38;
	[tilespmem:$0x14000] =	vst v63  }
0x92: {  	_ =	swait.ge [sflag:s11], $0xA000  }
0x93: {  	[sflag:s11] =	ssyncset.done $0x0  }
0x94: {  	[sflag:s11] =	ssyncadd.s32 $0xFFFF6000  }
0x95: {  	[hbm4b:s28+s2] =	stream.linear.scatter [tilespmem:s13], [sflag:$0x2], $0x8000, $0x38;
	[tilespmem:$0x14000] =	vst v63  }
0x96: {  	_ =	swait.ge [sflag:s14], $0x8000  }
0x97: {  	s30 =	sadd.s32 $0xFFFFFFFF, s30;
	[sflag:s14] =	ssyncset.done $0x0  }
0x98: {  	p2 =	sne.s32 s30, $0x0;
	[sflag:s14] =	ssyncadd.s32 $0xFFFF8000  }
.Ltmp1:
0x99: {  	_ =	swait.ge [sflag:s17], $0x8000;
	(pc) =	sbr.rel @p2 .LBB2_1-.Ltmp1, $4  }
0x9a: {  	[sflag:s17] =	ssyncset.done $0x0  }
0x9b: {  	[sflag:s17] =	ssyncadd.s32 $0xFFFF8000  }
0x9c: {  	[hbm4b:s29+s1] =	stream.linear.scatter @!p1 [tilespmem:s0], [sflag:$0x3], $0x800, $0x38;
	[tilespmem:$0x14000] =	vst v63  }
0x9d: {  	_ =	swait.ge @!p1 [sflag:s31], $0x800  }
.LBB2_2:
0x9e: {  	[sflag:s31] =	ssyncset.done @!p1 $0x0  }
0x9f: {  	[sflag:s31] =	ssyncadd.s32 @!p1 $0xFFFFF800  }
0xa0: {  	_ =	sfence.sel $0x180000  }
0xa1: {  	[bflag:$0x0] =	sbarrier.arrive $0xFFFF  }
0xa2: {  	_ =	strace $0x9000004A  }
0xa3: {  	s0 =	stileid.u32;
	[bflag:$0x2] =	sbarrier.arrive $0xFFFF  }
0xa4: {  	p0 =	sne.s32 s0, $0x0;
	s0 =	rddreg [dreg:$0x2]  }
0xa5: {  	s0 =	sadd.s32 @!p0 $0x100000, s0  }
0xa6: {  	[sflag:s0] =	ssyncadd.tile.s32 @!p0 $0x1;
	_ =	shalt  }
.Lfunc_end2:
_tile_overlayer_lowered:
.L_overlay_start_2:
0xa7: {  	(tag) =	ssettag $0x2  }
0xa8: {  	s0 =	rddreg [dreg:$0x0];
	s2 =	stileid.u32  }
0xa9: {  	s1 =	rddreg [dreg:$0x1];
	p0 =	sne.s32 s2, $0x0  }
0xaa: {  	s3 =	rddreg [dreg:$0x2];
	[bflag:$0x3] =	sbarrier.arrive $0xFFFF;
	s2 =	simm.s32 @!p0 $0x1C03  }
0xab: {  	[timem:s3], [sflag:s2] =	dma.local @!p0 [hbm:s0], s1  }
0xac: {  	s0 =	simm.s32 @!p0 $0x3  }
0xad: {  	_ =	swait.ge @!p0 [sflag:s0], s1  }
0xae: {  	s1 =	ssub.s32 @!p0 $0x0, s1;
	[sflag:s0] =	ssyncset.done @!p0 $0x0  }
0xaf: {  	[sflag:s0] =	ssyncadd.s32 @!p0 s1  }
0xb0: {  	[bflag:$0x3] =	sbarrier.arrive $0xFFFF  }
0xb1: {  	_ =	shalt  }

// kernel: sparse-core-data-format-call.cloned.1.call-start
scs
called_computation_lowered:
.L_overlay_start_0:
0x0: {  	s2 =	sld [smem:$0x3FD9]  }
0x1: {  	s3 =	sld [smem:$0x3FFE];
	_ =	sdelay $0x1  }
0x2: {  	s1 =	srdreg.scid  }
0x3: {  	s0 =	sand.u32 $0x1, s1  }
0x4: {  	s18 =	sshll.u32 s0, $0xA;
	s2 =	sadd.s32 s3, s2  }
0x5: {  	s2 =	sadd.s32 s2, s18  }
0x6: {  	[smem:$0x3FC5] =	sst s2  }
0x7: {  	_ = 	snop  }
0x8: {  	s2 =	sld [smem:$0x3FC9];
	(tm) =	ssettm $0x1  }
0x9: {  	s19 =	sld [smem:$0x3FFB];
	_ =	sdelay $0x3  }
0xa: {  	_ =	strace s19  }
0xb: {  	s3 =	sld [smem:$0x3FFC];
	_ =	sdelay $0x3  }
0xc: {  	_ =	strace s3  }
0xd: {  	s3 =	sld [smem:$0x3FFD];
	_ =	sdelay $0x3  }
0xe: {  	_ =	strace s3  }
0xf: {  	_ =	strace $0x8FFFFFFF  }
0x10: {  	s20 =	sld [smem:$0x3FDB];
	_ =	sdelay $0x1  }
0x11: {  	s4 =	simm.s32 $_scs_section_size  }
0x12: {  	s5 =	simm.s32 $_size__tile_overlayer_lowered;
	s6 =	simm.s32 $_tile_overlayer_lowered  }
0x13: {  	s23 =	simm.s32 $0x1BFF;
	s22 =	sshll.u32 s6, $0x1;
	s3 =	sadd.s32 s4, s20  }
0x14: {  	s7 =	simm.s32 $0x0;
	s21 =	sshll.u32 s5, $0x1;
	s5 =	sadd.s32 s22, s3  }
0x15: {  	[timem:s7], [sflag:s23] =	dma.local [hbm:s5], s21  }
0x16: {  	_ =	swait.ge [sflag:s23], s21  }
0x17: {  	s4 =	ssub.s32 $0x0, s21;
	[sflag:s23] =	ssyncset.done $0x0  }
0x18: {  	[sflag:s23] =	ssyncadd.s32 s4;
	_ =	sdelay $0x1  }
0x19: {  	s24 =	simm.s32 $0x1B8B  }
0x1a: {  	_ =	swait.ge [sflag:s24], $0x1  }
0x1b: {  	[sflag:s24] =	ssyncset.done $0x0  }
0x1c: {  	s26 =	simm.s32 $0x1B8E;
	s25 =	sld [smem:$0x3FFE];
	[sflag:s24] =	ssyncadd.s32 $0xFFFFFFFF  }
0x1d: {  	s27 =	simm.s32 $execute0_lowered;
	[smem:$0x3FD2] =	sst s26  }
0x1e: {  	s5 =	sshll.u32 s27, $0x1;
	_ =	strace $0x80000046;
	[dreg:$0x1] =	wrdreg $0xFFFFFFFF  }
0x1f: {  	s28 =	simm.s32 $_size_execute0_lowered;
	s3 =	sadd.s32 s3, s5;
	[dreg:$0x0] =	wrdreg $0x0  }
0x20: {  	s5 =	sshll.u32 s28, $0x1;
	[dreg:$0x2] =	wrdreg s3  }
0x21: {  	[dreg:$0x3] =	wrdreg s5  }
0x22: {  	[dreg:$0x4] =	wrdreg $0xC0  }
0x23: {  	_ =	task [dreg:s7], $0x5FFFF  }
0x24: {  	[dreg:$0x1] =	wrdreg $0xFFFFFFFF  }
0x25: {  	[dreg:$0x0] =	wrdreg $0x60  }
0x26: {  	[dreg:$0x2] =	wrdreg s2  }
0x27: {  	[dreg:$0x3] =	wrdreg s25  }
0x28: {  	[dreg:$0x4] =	wrdreg $0x9  }
0x29: {  	_ =	task.clear_ibuf [dreg:s7], $0x5FFFF;
	_ =	strace $0x90000046  }
0x2a: {  	s29 =	simm.s32 $0x9;
	_ =	strace $0x80000048  }
0x2b: {  	_ =	swait.ge [sflag:s29], $0x1  }
0x2c: {  	[sflag:s29] =	ssyncadd.s32 $0xFFFFFFFF  }
0x2d: {  	_ =	strace $0x90000048  }
0x2e: {  	_ =	sfence  }
0x2f: {  	s30 =	sld [smem:$0x0];
	_ =	sdelay $0x2  }
0x30: {  	s31 =	sshll.u32 s1, $0xD;
	s1 =	sshrl.u32 s1, $0x2  }
0x31: {  	s3 =	sand.u32 $0x4000, s31;
	s1 =	sadd.s32 s1, s30  }
0x32: {  	s0 =	sor.u32 s3, s0;
	s1 =	sshll.u32 s1, $0x11  }
0x33: {  	s0 =	sor.u32 s1, s0  }
0x34: {  	s0 =	sadd.s32 $0x8F2B, s0  }
0x35: {  	[sflag:s0] =	ssyncadd.remote.s32 $0x1  }
0x36: {  	_ =	sfence.sel $0xFFFF  }
0x37: {  	[dreg:$0x0] =	wrdreg $0xFFFFFFFF;
	(pc) =	sbr.abs _section_cstart, $3  }
0x38: {  	[dreg:$0x1] =	wrdreg $0xFFFFFFFF  }
0x39: {  	_ =	task.clear_ibuf [dreg:s7], $0x2FFFF;
	_ =	strace $0x9FFFFFFF  }
0x3a: {  	(tm) =	ssettm $0x7FFFFFFF  }
0x3b: {  	_ =	shalt  }
tec
execute0_lowered:
.L_overlay_start_1:
0x0: {  	(tag) =	ssettag $0x1  }
0x1: {  	s0 =	srdreg.scid  }
0x2: {  	s1 =	sshll.u32 s0, $0x4  }
0x3: {  	s2 =	rddreg [dreg:$0x0];
	s0 =	stileid.u32;
	s1 =	sand.u32 $0x10, s1  }
0x4: {  	s4 =	rddreg [dreg:$0x1];
	s7 =	simm.s32 $0x1;
	s1 =	sor.u32 s0, s1  }
0x5: {  	s8 =	simm.s32 $0x2;
	s9 =	simm.s32 $0x0;
	s3 =	sshll.u32 s1, $0x1  }
0x6: {  	s12 =	simm.s32 $0x0;
	s11 =	simm.s32 $0x0;
	s6 =	ssub.s32 $0x400, s3  }
.Ltmp0:
0x7: {  	s4 =	sadd.s32 $0x1400, s4;
	s5 =	sand.u32 $0x3E, s6;
	(pc) =	sbr.rel .LBB1_1-.Ltmp0, $4  }
0x8: {  	s1 =	rddreg [dreg:$0x2];
	_ =	strace $0x80000047;
	p0 =	sne.s32 s5, $0x0  }
0x9: {  	s6 =	sshrl.u32 s6, $0x6;
	s5 =	simm.s32 $0x1;
	s7 =	simm.s32 @!p0 $0x0  }
0xa: {  	s10 =	smov.u32 s3;
	[sflag:s5] =	ssyncpa.u1 $0x0;
	s6 =	sadd.s32 s7, s6  }
0xb: {  	[sflag:s8] =	ssyncpa.u1 $0x0;
	s8 =	simm.s32 $0x0;
	s7 =	sadd.s32 $0x1, s6  }
.LBB1_9:
0xc: {  	s14 =	sadd.s32 $0x40, s10  }
0xd: {  	p1 =	sgt.s32 s14, $0x3FF  }
0xe: {  	s14 =	smov.u32 @p1 s3;
	p1 =	sne.s32 s11, s7  }
.Ltmp1:
0xf: {  	p0 =	slt.u32 s11, $0x2;
	(pc) =	sbr.rel @!p1 .LBB1_10-.Ltmp1, $4  }
0x10: {  	s13 =	simm.s32 @!p0 $0x2  }
0x11: {  	s15 =	sadd.s32 $0x1, s11;
	_ =	swait.ge @!p0 [sflag:s13], $0x4000  }
0x12: {  	s12 =	smov.u32 s10;
	s9 =	sadd.s32 $0x4000, s9;
	[sflag:s13] =	ssyncset.done @!p0 $0x0  }
0x13: {  	s11 =	smov.u32 s15;
	s10 =	smov.u32 s14;
	[sflag:s13] =	ssyncadd.s32 @!p0 $0xFFFFC000  }
.LBB1_1:
0x14: {  	p0 =	sge.u32 s11, s6  }
0x15: {  	s13 =	sxor.u32 @!p0 $0xFFFFFFFF, s11  }
0x16: {  	s31 =	sadd.s32 $0xFFFFFFFF, s11;
	s14 =	sshll.u32 @!p0 s10, $0xA;
	s13 =	sshll.u32 @!p0 s13, $0xE  }
0x17: {  	s15 =	simm.s32 @!p0 $0x0;
	s14 =	sadd.s32 @!p0 s2, s14;
	s13 =	sand.u32 @!p0 $0x4000, s13  }
0x18: {  	[tilespmem:s13], [sflag:$0x1] =	stream.linear.gather @!p0 [hbm4b:s14+s15], $0x4000, $0x38;
	[tilespmem:$0x10000] =	vst v63  }
0x19: {  	p0 =	sge.u32 s31, s6  }
.Ltmp2:
0x1a: {  	_ = 	snop;
	(pc) =	sbr.rel @p0 .LBB1_9-.Ltmp2, $1  }
0x1b: {  	_ =	sdelay $0x3  }
0x1c: {  	s13 =	sshll.u32 s9, $0x2  }
0x1d: {  	_ =	swait.ge [sflag:s5], $0x4000;
	s14 =	sshll.u32 s11, $0xE;
	s16 =	simm.s32 $0x0  }
0x1e: {  	p1 =	por $0x1, $0x1;
	s13 =	sand.u32 $0x10000, s13;
	[sflag:s5] =	ssyncset.done $0x0  }
0x1f: {  	s14 =	sand.u32 $0x4000, s14;
	s15 =	sshrl.u32 s13, $0x2;
	[sflag:s5] =	ssyncadd.s32 $0xFFFFC000  }
0x20: {  	s13 =	sor.u32 $0x8000, s14;
	s14 =	sadd.s32 $0x8040, s15;
	s15 =	sadd.s32 $0x40, s15  }
.LBB1_3:
0x21: {  	s16 =	sshll.u32 s16, $0x2  }
0x22: {  	p0 =	por p1, p1;
	s17 =	sshra.s32 s16, $0x2  }
0x23: {  	s18 =	simm.s32 $0x0;
	s16 =	sadd.s32 s17, s14;
	s17 =	sadd.s32 s17, s15  }
.LBB1_4:
0x24: {  	v0 =	vmov s17;
	_ =	sdelay $0x3  }
0x25: {  	s20 =	simm.s32 $0x0  }
0x26: {  	v6 =	vld.idx.msk [tilespmem:v0+s20+$0x30 ss:$0x1], $0xffff  }
0x27: {  	v7 =	vld.idx.msk [tilespmem:v0+s20+$0xFFFFFFC0 ss:$0x1], $0xffff  }
0x28: {  	v5 =	vld.idx.msk [tilespmem:v0+s20+$0xFFFFFFD0 ss:$0x1], $0xffff  }
0x29: {  	v4 =	vld.idx.msk [tilespmem:v0+s20+$0xFFFFFFE0 ss:$0x1], $0xffff  }
0x2a: {  	v3 =	vld.idx.msk [tilespmem:v0+s20+$0xFFFFFFF0 ss:$0x1], $0xffff  }
0x2b: {  	v1 =	vld.idx.msk [tilespmem:v0+s20+$0x0 ss:$0x1], $0xffff  }
0x2c: {  	v2 =	vld.idx.msk [tilespmem:v0+s20+$0x10 ss:$0x1], $0xffff;
	[tilespmem:s16+$0x30] =	vst v6  }
0x2d: {  	s19 =	simm.s32 $0x80;
	s21 =	simm.s32 $0x400;
	[tilespmem:s16+$0xFFFFFFC0] =	vst v7;
	v6 =	vld.idx.msk [tilespmem:v0+s20+$0x20 ss:$0x1], $0xffff;
	s20 =	smov.u32 s16  }
.LBB1_5:
0x2e: {  	p1 =	sne.s32 s21, $0xE00;
	v7 =	vld.idx.msk [tilespmem:v0+s19+$0x30 ss:$0x1], $0xffff;
	[tilespmem:s20+$0xFFFFFFD0] =	vst v5  }
0x2f: {  	v8 =	vld.idx.msk [tilespmem:v0+s19+$0xFFFFFFC0 ss:$0x1], $0xffff;
	[tilespmem:s20+$0xFFFFFFE0] =	vst v4  }
0x30: {  	v5 =	vld.idx.msk [tilespmem:v0+s19+$0xFFFFFFD0 ss:$0x1], $0xffff;
	[tilespmem:s20+$0xFFFFFFF0] =	vst v3  }
.Ltmp3:
0x31: {  	v4 =	vld.idx.msk [tilespmem:v0+s19+$0xFFFFFFE0 ss:$0x1], $0xffff;
	[tilespmem:s20+$0x0] =	vst v1;
	(pc) =	sbr.rel @p1 .LBB1_5-.Ltmp3, $4  }
0x32: {  	v3 =	vld.idx.msk [tilespmem:v0+s19+$0xFFFFFFF0 ss:$0x1], $0xffff;
	[tilespmem:s20+$0x10] =	vst v2  }
0x33: {  	v1 =	vld.idx.msk [tilespmem:v0+s19+$0x0 ss:$0x1], $0xffff;
	[tilespmem:s20+$0x20] =	vst v6;
	s20 =	sadd.s32 $0x400, s20  }
0x34: {  	v2 =	vld.idx.msk [tilespmem:v0+s19+$0x10 ss:$0x1], $0xffff;
	[tilespmem:s20+$0x30] =	vst v7  }
0x35: {  	[tilespmem:s20+$0xFFFFFFC0] =	vst v8;
	v6 =	vld.idx.msk [tilespmem:v0+s19+$0x20 ss:$0x1], $0xffff;
	s19 =	sshra.s32 s21, $0x2;
	s21 =	sadd.s32 $0x200, s21  }
0x36: {  	_ =	sdelay $0x2  }
0x37: {  	[tilespmem:s20+$0xFFFFFFD0] =	vst v5  }
0x38: {  	v56 =	vld.idx.msk [tilespmem:v0+s19+$0x30 ss:$0x1], $0xffff;
	[tilespmem:s20+$0xFFFFFFE0] =	vst v4  }
0x39: {  	v57 =	vld.idx.msk [tilespmem:v0+s19+$0xFFFFFFC0 ss:$0x1], $0xffff;
	[tilespmem:s20+$0xFFFFFFF0] =	vst v3  }
0x3a: {  	v58 =	vld.idx.msk [tilespmem:v0+s19+$0xFFFFFFD0 ss:$0x1], $0xffff;
	[tilespmem:s20+$0x0] =	vst v1  }
0x3b: {  	v59 =	vld.idx.msk [tilespmem:v0+s19+$0xFFFFFFE0 ss:$0x1], $0xffff;
	[tilespmem:s20+$0x10] =	vst v2  }
0x3c: {  	v60 =	vld.idx.msk [tilespmem:v0+s19+$0xFFFFFFF0 ss:$0x1], $0xffff;
	s31 =	sadd.s32 $0x400, s20;
	[tilespmem:s20+$0x20] =	vst v6  }
0x3d: {  	v61 =	vld.idx.msk [tilespmem:v0+s19+$0x0 ss:$0x1], $0xffff;
	[tilespmem:s31+$0x30] =	vst v56  }
0x3e: {  	v62 =	vld.idx.msk [tilespmem:v0+s19+$0x10 ss:$0x1], $0xffff;
	s18 =	sadd.s32 $0x1, s18;
	[tilespmem:s31+$0xFFFFFFC0] =	vst v57  }
0x3f: {  	v63 =	vld.idx.msk [tilespmem:v0+s19+$0x20 ss:$0x1], $0xffff;
	p1 =	sne.s32 s18, $0x8;
	[tilespmem:s31+$0xFFFFFFD0] =	vst v58  }
.Ltmp4:
0x40: {  	[tilespmem:s31+$0xFFFFFFE0] =	vst v59;
	(pc) =	sbr.rel @p1 .LBB1_4-.Ltmp4, $4  }
0x41: {  	[tilespmem:s31+$0xFFFFFFF0] =	vst v60  }
0x42: {  	[tilespmem:s31+$0x0] =	vst v61  }
0x43: {  	[tilespmem:s31+$0x10] =	vst v62  }
0x44: {  	s16 =	sadd.s32 $0x80, s16;
	s17 =	sadd.s32 $0x400, s17;
	[tilespmem:s31+$0x20] =	vst v63  }
.Ltmp5:
0x45: {  	(pc) =	sbr.rel @p0 .LBB1_3-.Ltmp5, $2  }
0x46: {  	_ =	sdelay $0x2  }
0x47: {  	s16 =	simm.s32 $0x2000;
	p1 =	por $0x0, $0x0  }
.Ltmp6:
0x48: {  	(pc) =	sbr.rel .LBB1_9-.Ltmp6, $4  }
0x49: {  	_ = 	snop  }
0x4a: {  	s12 =	sshll.u32 s12, $0xA  }
0x4b: {  	s12 =	sadd.s32 s4, s12  }
0x4c: {  	[hbm4b:s12+s8] =	stream.linear.scatter [tilespmem:s13], [sflag:$0x2], $0x4000, $0x38;
	[tilespmem:$0x10000] =	vst v63  }
.LBB1_10:
0x4d: {  	_ =	sfence.sel $0x180000  }
0x4e: {  	s2 =	simm.s32 $0x1;
	[bflag:$0x0] =	sbarrier.arrive $0xFFFF  }
0x4f: {  	s31 =	simm.s32 $0x2;
	[sflag:s2] =	ssyncpa.u1 $0x1  }
0x50: {  	[sflag:s31] =	ssyncpa.u1 $0x1  }
0x51: {  	p0 =	sne.s32 s0, $0x0;
	_ =	strace $0x90000047  }
0x52: {  	s0 =	sadd.s32 @!p0 $0x100000, s1;
	[bflag:$0x2] =	sbarrier.arrive $0xFFFF  }
0x53: {  	[sflag:s0] =	ssyncadd.tile.s32 @!p0 $0x1;
	_ =	shalt  }
.Lfunc_end1:
_tile_overlayer_lowered:
.L_overlay_start_2:
0x54: {  	(tag) =	ssettag $0x2  }
0x55: {  	s0 =	rddreg [dreg:$0x0];
	s2 =	stileid.u32  }
0x56: {  	s1 =	rddreg [dreg:$0x1];
	p0 =	sne.s32 s2, $0x0  }
0x57: {  	s3 =	rddreg [dreg:$0x2];
	[bflag:$0x3] =	sbarrier.arrive $0xFFFF;
	s2 =	simm.s32 @!p0 $0x1C01  }
0x58: {  	[timem:s3], [sflag:s2] =	dma.local @!p0 [hbm:s0], s1  }
0x59: {  	s0 =	simm.s32 @!p0 $0x1  }
0x5a: {  	_ =	swait.ge @!p0 [sflag:s0], s1  }
0x5b: {  	s1 =	ssub.s32 @!p0 $0x0, s1;
	[sflag:s0] =	ssyncset.done @!p0 $0x0  }
0x5c: {  	[sflag:s0] =	ssyncadd.s32 @!p0 s1  }
0x5d: {  	[bflag:$0x3] =	sbarrier.arrive $0xFFFF  }
0x5e: {  	_ =	shalt  }

</sc_bundles>
